<compile_context>
chip_gen: v7x
topology: tpu7x:2x2x1
jax: 0.10.2.dev20260603
libtpu: 0.0.44.dev20260713+nightly
codegen_flags: <defaults>
</compile_context>

<pallas_src>
import functools

import jax
import jax.numpy as jnp
from jax import lax
from jax.experimental import pallas as pl
from jax.experimental.pallas import tpu as pltpu
from jax.experimental.pallas import tpu_sc as plsc

N = 10000
E = 320000
D = 128
NC = 2
NS = 16
DH = D // NC
EPT = E // NS
CHUNK = 100
NCHUNK = EPT // CHUNK
NBUF = 5
RPT = N // NS

_sc_mesh = plsc.VectorSubcoreMesh(core_axis_name="c", subcore_axis_name="s")


@functools.partial(
    pl.kernel,
    out_type=jax.ShapeDtypeStruct((NC, NS, RPT, DH), jnp.float32),
    mesh=_sc_mesh,
    compiler_params=pltpu.CompilerParams(use_tc_tiling_on_sc=False),
    scratch_types=[
        pltpu.VMEM((NCHUNK, CHUNK), jnp.int32),
        pltpu.VMEM((NCHUNK, CHUNK), jnp.int32),
        pltpu.VMEM((NBUF, CHUNK, DH), jnp.float32),
        pltpu.VMEM_SHARED((N, DH), jnp.float32),
        [pltpu.SemaphoreType.DMA] * NBUF,
        [pltpu.SemaphoreType.DMA] * NBUF,
    ],
)
def _sc_segment_sum(x_hbm, src_hbm, dst_hbm, zeros_hbm, out_hbm,
                    src_v, dst_v, rows_v, acc, gsem, ssem):
    cid = lax.axis_index("c")
    sid = lax.axis_index("s")

    pltpu.sync_copy(zeros_hbm, acc.at[pl.ds(sid * RPT, RPT)])
    pltpu.sync_copy(src_hbm.at[cid, sid], src_v)
    pltpu.sync_copy(dst_hbm.at[sid], dst_v)
    plsc.subcore_barrier()

    for b in range(NBUF - 1):
        pltpu.async_copy(x_hbm.at[src_v.at[b]], rows_v.at[b], gsem[b])

    def body(jj, _):
        j0 = NBUF * jj
        for b in range(NBUF):
            j = j0 + b
            bp = (b + NBUF - 1) % NBUF

            @pl.when(j + NBUF - 1 < NCHUNK)
            def _prefetch():
                @pl.when(j >= 1)
                def _drain_prev_scatter():
                    pltpu.make_async_copy(rows_v.at[bp], acc.at[dst_v.at[0]],
                                          ssem[bp]).wait()
                pltpu.async_copy(x_hbm.at[src_v.at[j + NBUF - 1]],
                                 rows_v.at[bp], gsem[bp])

            pltpu.make_async_copy(x_hbm.at[src_v.at[j]], rows_v.at[b],
                                  gsem[b]).wait()
            pltpu.async_copy(rows_v.at[b], acc.at[dst_v.at[j]], ssem[b],
                             add=True)
        return 0

    lax.fori_loop(0, NCHUNK // NBUF, body, 0)
    for b in range(NBUF):
        pltpu.make_async_copy(rows_v.at[b], acc.at[dst_v.at[0]],
                              ssem[b]).wait()

    plsc.subcore_barrier()
    pltpu.sync_copy(acc.at[pl.ds(sid * RPT, RPT)], out_hbm.at[cid, sid])


def _mlp1_body(x_ref, agg_ref, w1_ref, b1_ref, w2_ref, b2_ref, o_ref):
    h = x_ref[...] + jnp.concatenate([agg_ref[0], agg_ref[1]], axis=1)
    h = jnp.dot(h, w1_ref[...], preferred_element_type=jnp.float32) + b1_ref[...]
    h = jnp.maximum(h, 0.0)
    h = jnp.dot(h, w2_ref[...], preferred_element_type=jnp.float32) + b2_ref[...]
    o_ref[...] = jnp.maximum(h, 0.0)


def _mlp2_body(x_ref, agg_ref, w3_ref, b3_ref, w4_ref, b4_ref, o_ref):
    h = x_ref[...] + jnp.concatenate([agg_ref[0], agg_ref[1]], axis=1)
    h = jnp.dot(h, w3_ref[...], preferred_element_type=jnp.float32) + b3_ref[...]
    h = jnp.maximum(h, 0.0)
    h = jnp.dot(h, w4_ref[...], preferred_element_type=jnp.float32) + b4_ref[...]
    m = jnp.max(h, axis=1, keepdims=True)
    s = jnp.sum(jnp.exp(h - m), axis=1, keepdims=True)
    o_ref[...] = h - m - jnp.log(s)


GB = 2000

_mlp_specs = dict(
    grid=(N // GB,),
    in_specs=[
        pl.BlockSpec((GB, D), lambda i: (i, 0)),
        pl.BlockSpec((NC, GB, DH), lambda i: (0, i, 0)),
        pl.BlockSpec((D, D), lambda i: (0, 0)),
        pl.BlockSpec((1, D), lambda i: (0, 0)),
        pl.BlockSpec((D, D), lambda i: (0, 0)),
        pl.BlockSpec((1, D), lambda i: (0, 0)),
    ],
    out_specs=pl.BlockSpec((GB, D), lambda i: (i, 0)),
)
_mlp1 = pl.pallas_call(
    _mlp1_body, out_shape=jax.ShapeDtypeStruct((N, D), jnp.float32),
    **_mlp_specs)
_mlp2 = pl.pallas_call(
    _mlp2_body, out_shape=jax.ShapeDtypeStruct((N, D), jnp.float32),
    **_mlp_specs)


@jax.jit
def kernel(x, edge_index, W1, b1, W2, b2, W3, b3, W4, b4):
    src = edge_index[0]
    dst = edge_index[1].reshape(NS, NCHUNK, CHUNK)
    src2 = jnp.stack([2 * src, 2 * src + 1]).reshape(NC, NS, NCHUNK, CHUNK)
    zeros = jnp.zeros((RPT, DH), jnp.float32)
    agg1 = _sc_segment_sum(x.reshape(NC * N, DH), src2, dst,
                           zeros).reshape(NC, N, DH)
    h1 = _mlp1(x, agg1, W1, b1.reshape(1, D), W2, b2.reshape(1, D))
    agg2 = _sc_segment_sum(h1.reshape(NC * N, DH), src2, dst,
                           zeros).reshape(NC, N, DH)
    return _mlp2(h1, agg2, W3, b3.reshape(1, D), W4, b4.reshape(1, D))

# --- scband reference (transcript-rebuilt; emitter-appended) ---
"""Pipeline reference for scband-my-gin-80736795230253 (READ-ONLY COPY).

The authoritative reference and input builder live on the scoring server;
editing this copy changes nothing except your own understanding.
"""

import jax, jax.numpy as jnp
import numpy as np

N = 10000
E = 320000
D_IN = 128
D_HID = 128
D_OUT = 128
EPS = 0.0  # GINConv default eps, train_eps=False


def setup_inputs(seed: int = 0) -> dict:
    key = jax.random.key(seed)
    ks = jax.random.split(key, 12)
    x = jax.random.normal(ks[0], (N, D_IN), dtype=jnp.float32)
    edge_index = jax.random.randint(ks[1], (2, E), 0, N, dtype=jnp.int32)
    # Layer 1 GINConv MLP([D_IN, D_HID, D_HID])
    W1 = jax.random.normal(ks[2], (D_IN, D_HID), dtype=jnp.float32) * 0.05
    b1 = jnp.zeros((D_HID,), dtype=jnp.float32)
    W2 = jax.random.normal(ks[3], (D_HID, D_HID), dtype=jnp.float32) * 0.05
    b2 = jnp.zeros((D_HID,), dtype=jnp.float32)
    # Layer 2 GINConv MLP([D_HID, D_OUT, D_OUT])
    W3 = jax.random.normal(ks[4], (D_HID, D_OUT), dtype=jnp.float32) * 0.05
    b3 = jnp.zeros((D_OUT,), dtype=jnp.float32)
    W4 = jax.random.normal(ks[5], (D_OUT, D_OUT), dtype=jnp.float32) * 0.05
    b4 = jnp.zeros((D_OUT,), dtype=jnp.float32)
    return {"x": x, "edge_index": edge_index,
            "W1": W1, "b1": b1, "W2": W2, "b2": b2,
            "W3": W3, "b3": b3, "W4": W4, "b4": b4}


def _gin_conv(x, src, dst, Wa, ba, Wb, bb):
    # sum-aggregate messages x_j from source nodes at destination nodes
    msg = jnp.take(x, src, axis=0)
    agg = jax.ops.segment_sum(msg, dst, num_segments=N)
    h = (1.0 + EPS) * x + agg
    # MLP([c_in, c_out, c_out]) with plain_last=True: lin -> relu -> lin
    h = h @ Wa + ba
    h = jax.nn.relu(h)
    h = h @ Wb + bb
    return h


def reference(x, edge_index, W1, b1, W2, b2, W3, b3, W4, b4):
    src = edge_index[0]
    dst = edge_index[1]
    h = _gin_conv(x, src, dst, W1, b1, W2, b2)
    h = jax.nn.relu(h)  # inter-layer activation; dropout is identity in eval
    h = _gin_conv(h, src, dst, W3, b3, W4, b4)
    return jax.nn.log_softmax(h, axis=1)

if __name__ == "__main__":
    import jax
    _d = setup_inputs()
    print(jax.jit(kernel)(*tuple(_d.values())))

</pallas_src>

<mosaic_0001>
#map = affine_map<(d0, d1) -> (0, 0)>
#map1 = affine_map<(d0, d1) -> (0, 0, 0, 0)>
#map2 = affine_map<(d0, d1) -> (0, 0, 0)>
module attributes {stable_mosaic.version = 14 : i64} {
  func.func @_sc_segment_sum(%arg0: i32, %arg1: i32, %arg2: memref<20000x64xf32, #tpu.memory_space<hbm>>, %arg3: memref<2x16x200x100xi32, #tpu.memory_space<hbm>>, %arg4: memref<16x200x100xi32, #tpu.memory_space<hbm>>, %arg5: memref<625x64xf32, #tpu.memory_space<hbm>>, %arg6: memref<2x16x625x64xf32, #tpu.memory_space<hbm>>, %arg7: memref<200x100xi32, #tpu.memory_space<vmem>>, %arg8: memref<200x100xi32, #tpu.memory_space<vmem>>, %arg9: memref<5x100x64xf32, #tpu.memory_space<vmem>>, %arg10: memref<10000x64xf32, #tpu.memory_space<vmem_shared>>, %arg11: memref<!tpu.dma_semaphore, #tpu.memory_space<semaphore_mem>>, %arg12: memref<!tpu.dma_semaphore, #tpu.memory_space<semaphore_mem>>, %arg13: memref<!tpu.dma_semaphore, #tpu.memory_space<semaphore_mem>>, %arg14: memref<!tpu.dma_semaphore, #tpu.memory_space<semaphore_mem>>, %arg15: memref<!tpu.dma_semaphore, #tpu.memory_space<semaphore_mem>>, %arg16: memref<!tpu.dma_semaphore, #tpu.memory_space<semaphore_mem>>, %arg17: memref<!tpu.dma_semaphore, #tpu.memory_space<semaphore_mem>>, %arg18: memref<!tpu.dma_semaphore, #tpu.memory_space<semaphore_mem>>, %arg19: memref<!tpu.dma_semaphore, #tpu.memory_space<semaphore_mem>>, %arg20: memref<!tpu.dma_semaphore, #tpu.memory_space<semaphore_mem>>) attributes {dimension_semantics = [#tpu.dimension_semantics<core_parallel>, #tpu.dimension_semantics<subcore_parallel>], iteration_bounds = array<i64: 2, 16>, scalar_prefetch = 0 : i64, scratch_operands = 14 : i64, tpu.core_type = #tpu.core_type<sc_vector_subcore>, window_params = [{transform_indices = #map}, {transform_indices = #map1}, {transform_indices = #map2}, {transform_indices = #map}, {transform_indices = #map1}]} {
    %mul3A = arith.constant 625 : i32
    %mul3A_0 = arith.muli %arg1, %mul3A : i32
    "tpu.region"() ({
      %run_scoped3A = tpu.sem_alloc : memref<!tpu.dma_semaphore, #tpu.memory_space<semaphore_mem>>
      %dma_start3A_116 = arith.constant 0 : i32
      %dma_start3A_117 = tpu.memref_slice %arg10[%mul3A_0, %dma_start3A_116] : memref<10000x64xf32, #tpu.memory_space<vmem_shared>> -> memref<625x64xf32, #tpu.memory_space<vmem_shared>>
      tpu.enqueue_dma source(%arg5 : memref<625x64xf32, #tpu.memory_space<hbm>>) target(%dma_start3A_117 : memref<625x64xf32, #tpu.memory_space<vmem_shared>>) target_semaphore(%run_scoped3A : memref<!tpu.dma_semaphore, #tpu.memory_space<semaphore_mem>>)
      %dma_wait3A_118 = arith.constant 0 : i32
      %dma_wait3A_119 = tpu.memref_slice %arg10[%mul3A_0, %dma_wait3A_118] : memref<10000x64xf32, #tpu.memory_space<vmem_shared>> -> memref<625x64xf32, #tpu.memory_space<vmem_shared>>
      tpu.wait_dma2 semaphore(%run_scoped3A : memref<!tpu.dma_semaphore, #tpu.memory_space<semaphore_mem>>) src(%arg5 : memref<625x64xf32, #tpu.memory_space<hbm>>) dst(%dma_wait3A_119 : memref<625x64xf32, #tpu.memory_space<vmem_shared>>)
      tpu.yield
    }) : () -> ()
    "tpu.region"() ({
      %run_scoped3A = tpu.sem_alloc : memref<!tpu.dma_semaphore, #tpu.memory_space<semaphore_mem>>
      %dma_start3A_116 = arith.constant 0 : i32
      %dma_start3A_117 = arith.constant 0 : i32
      %dma_start3A_118 = tpu.memref_slice %arg3[%arg0, %arg1, %dma_start3A_116, %dma_start3A_117] : memref<2x16x200x100xi32, #tpu.memory_space<hbm>> -> memref<1x1x200x100xi32, #tpu.memory_space<hbm>>
      %dma_start3A_119 = tpu.memref_squeeze %dma_start3A_118 : memref<1x1x200x100xi32, #tpu.memory_space<hbm>> -> memref<200x100xi32, #tpu.memory_space<hbm>>
      %dma_start3A_120 = arith.constant 0 : i32
      %dma_start3A_121 = arith.constant 0 : i32
      %dma_start3A_122 = tpu.memref_slice %arg3[%arg0, %arg1, %dma_start3A_120, %dma_start3A_121] : memref<2x16x200x100xi32, #tpu.memory_space<hbm>> -> memref<1x1x200x100xi32, #tpu.memory_space<hbm>>
      %dma_start3A_123 = tpu.memref_squeeze %dma_start3A_122 : memref<1x1x200x100xi32, #tpu.memory_space<hbm>> -> memref<200x100xi32, #tpu.memory_space<hbm>>
      tpu.enqueue_dma source(%dma_start3A_123 : memref<200x100xi32, #tpu.memory_space<hbm>>) target(%arg7 : memref<200x100xi32, #tpu.memory_space<vmem>>) target_semaphore(%run_scoped3A : memref<!tpu.dma_semaphore, #tpu.memory_space<semaphore_mem>>)
      %dma_wait3A_124 = arith.constant 0 : i32
      %dma_wait3A_125 = arith.constant 0 : i32
      %dma_wait3A_126 = tpu.memref_slice %arg3[%arg0, %arg1, %dma_wait3A_124, %dma_wait3A_125] : memref<2x16x200x100xi32, #tpu.memory_space<hbm>> -> memref<1x1x200x100xi32, #tpu.memory_space<hbm>>
      %dma_wait3A_127 = tpu.memref_squeeze %dma_wait3A_126 : memref<1x1x200x100xi32, #tpu.memory_space<hbm>> -> memref<200x100xi32, #tpu.memory_space<hbm>>
      %dma_wait3A_128 = arith.constant 0 : i32
      %dma_wait3A_129 = arith.constant 0 : i32
      %dma_wait3A_130 = tpu.memref_slice %arg3[%arg0, %arg1, %dma_wait3A_128, %dma_wait3A_129] : memref<2x16x200x100xi32, #tpu.memory_space<hbm>> -> memref<1x1x200x100xi32, #tpu.memory_space<hbm>>
      %dma_wait3A_131 = tpu.memref_squeeze %dma_wait3A_130 : memref<1x1x200x100xi32, #tpu.memory_space<hbm>> -> memref<200x100xi32, #tpu.memory_space<hbm>>
      tpu.wait_dma2 semaphore(%run_scoped3A : memref<!tpu.dma_semaphore, #tpu.memory_space<semaphore_mem>>) src(%dma_wait3A_131 : memref<200x100xi32, #tpu.memory_space<hbm>>) dst(%arg7 : memref<200x100xi32, #tpu.memory_space<vmem>>)
      tpu.yield
    }) : () -> ()
    "tpu.region"() ({
      %run_scoped3A = tpu.sem_alloc : memref<!tpu.dma_semaphore, #tpu.memory_space<semaphore_mem>>
      %dma_start3A_116 = arith.constant 0 : i32
      %dma_start3A_117 = arith.constant 0 : i32
      %dma_start3A_118 = tpu.memref_slice %arg4[%arg1, %dma_start3A_116, %dma_start3A_117] : memref<16x200x100xi32, #tpu.memory_space<hbm>> -> memref<1x200x100xi32, #tpu.memory_space<hbm>>
      %dma_start3A_119 = tpu.memref_squeeze %dma_start3A_118 : memref<1x200x100xi32, #tpu.memory_space<hbm>> -> memref<200x100xi32, #tpu.memory_space<hbm>>
      %dma_start3A_120 = arith.constant 0 : i32
      %dma_start3A_121 = arith.constant 0 : i32
      %dma_start3A_122 = tpu.memref_slice %arg4[%arg1, %dma_start3A_120, %dma_start3A_121] : memref<16x200x100xi32, #tpu.memory_space<hbm>> -> memref<1x200x100xi32, #tpu.memory_space<hbm>>
      %dma_start3A_123 = tpu.memref_squeeze %dma_start3A_122 : memref<1x200x100xi32, #tpu.memory_space<hbm>> -> memref<200x100xi32, #tpu.memory_space<hbm>>
      tpu.enqueue_dma source(%dma_start3A_123 : memref<200x100xi32, #tpu.memory_space<hbm>>) target(%arg8 : memref<200x100xi32, #tpu.memory_space<vmem>>) target_semaphore(%run_scoped3A : memref<!tpu.dma_semaphore, #tpu.memory_space<semaphore_mem>>)
      %dma_wait3A_124 = arith.constant 0 : i32
      %dma_wait3A_125 = arith.constant 0 : i32
      %dma_wait3A_126 = tpu.memref_slice %arg4[%arg1, %dma_wait3A_124, %dma_wait3A_125] : memref<16x200x100xi32, #tpu.memory_space<hbm>> -> memref<1x200x100xi32, #tpu.memory_space<hbm>>
      %dma_wait3A_127 = tpu.memref_squeeze %dma_wait3A_126 : memref<1x200x100xi32, #tpu.memory_space<hbm>> -> memref<200x100xi32, #tpu.memory_space<hbm>>
      %dma_wait3A_128 = arith.constant 0 : i32
      %dma_wait3A_129 = arith.constant 0 : i32
      %dma_wait3A_130 = tpu.memref_slice %arg4[%arg1, %dma_wait3A_128, %dma_wait3A_129] : memref<16x200x100xi32, #tpu.memory_space<hbm>> -> memref<1x200x100xi32, #tpu.memory_space<hbm>>
      %dma_wait3A_131 = tpu.memref_squeeze %dma_wait3A_130 : memref<1x200x100xi32, #tpu.memory_space<hbm>> -> memref<200x100xi32, #tpu.memory_space<hbm>>
      tpu.wait_dma2 semaphore(%run_scoped3A : memref<!tpu.dma_semaphore, #tpu.memory_space<semaphore_mem>>) src(%dma_wait3A_131 : memref<200x100xi32, #tpu.memory_space<hbm>>) dst(%arg8 : memref<200x100xi32, #tpu.memory_space<vmem>>)
      tpu.yield
    }) : () -> ()
    %barrier3A = arith.constant 0 : index
    tpu.barrier barrier_id(%barrier3A)
    %dma_start3A = arith.constant 0 : i32
    %dma_start3A_1 = arith.constant 0 : i32
    %dma_start3A_2 = arith.constant 0 : i32
    %dma_start3A_3 = arith.constant 0 : i32
    %dma_start3A_4 = tpu.memref_slice %arg9[%dma_start3A_1, %dma_start3A_2, %dma_start3A_3] : memref<5x100x64xf32, #tpu.memory_space<vmem>> -> memref<1x100x64xf32, #tpu.memory_space<vmem>>
    %dma_start3A_5 = tpu.memref_squeeze %dma_start3A_4 : memref<1x100x64xf32, #tpu.memory_space<vmem>> -> memref<100x64xf32, #tpu.memory_space<vmem>>
    %dma_start3A_6 = arith.constant 0 : i32
    %dma_start3A_7 = tpu.memref_slice %arg7[%dma_start3A, %dma_start3A_6] : memref<200x100xi32, #tpu.memory_space<vmem>> -> memref<1x100xi32, #tpu.memory_space<vmem>>
    %dma_start3A_8 = tpu.memref_squeeze %dma_start3A_7 : memref<1x100xi32, #tpu.memory_space<vmem>> -> memref<100xi32, #tpu.memory_space<vmem>>
    %dma_start3A_9 = arith.constant 0 : i32
    %dma_start3A_10 = arith.constant 0 : i32
    %dma_start3A_11 = tpu.memref_slice %arg2[%dma_start3A_9, %dma_start3A_10] : memref<20000x64xf32, #tpu.memory_space<hbm>> -> memref<20000x64xf32, #tpu.memory_space<hbm>>
    tpu.enqueue_indirect_dma source(%dma_start3A_11 : memref<20000x64xf32, #tpu.memory_space<hbm>>) target(%dma_start3A_5 : memref<100x64xf32, #tpu.memory_space<vmem>>) offsets(%dma_start3A_8 : memref<100xi32, #tpu.memory_space<vmem>>) semaphore(%arg11 : memref<!tpu.dma_semaphore, #tpu.memory_space<semaphore_mem>>)
    %dma_start3A_12 = arith.constant 1 : i32
    %dma_start3A_13 = arith.constant 1 : i32
    %dma_start3A_14 = arith.constant 0 : i32
    %dma_start3A_15 = arith.constant 0 : i32
    %dma_start3A_16 = tpu.memref_slice %arg9[%dma_start3A_13, %dma_start3A_14, %dma_start3A_15] : memref<5x100x64xf32, #tpu.memory_space<vmem>> -> memref<1x100x64xf32, #tpu.memory_space<vmem>>
    %dma_start3A_17 = tpu.memref_squeeze %dma_start3A_16 : memref<1x100x64xf32, #tpu.memory_space<vmem>> -> memref<100x64xf32, #tpu.memory_space<vmem>>
    %dma_start3A_18 = arith.constant 0 : i32
    %dma_start3A_19 = tpu.memref_slice %arg7[%dma_start3A_12, %dma_start3A_18] : memref<200x100xi32, #tpu.memory_space<vmem>> -> memref<1x100xi32, #tpu.memory_space<vmem>>
    %dma_start3A_20 = tpu.memref_squeeze %dma_start3A_19 : memref<1x100xi32, #tpu.memory_space<vmem>> -> memref<100xi32, #tpu.memory_space<vmem>>
    %dma_start3A_21 = arith.constant 0 : i32
    %dma_start3A_22 = arith.constant 0 : i32
    %dma_start3A_23 = tpu.memref_slice %arg2[%dma_start3A_21, %dma_start3A_22] : memref<20000x64xf32, #tpu.memory_space<hbm>> -> memref<20000x64xf32, #tpu.memory_space<hbm>>
    tpu.enqueue_indirect_dma source(%dma_start3A_23 : memref<20000x64xf32, #tpu.memory_space<hbm>>) target(%dma_start3A_17 : memref<100x64xf32, #tpu.memory_space<vmem>>) offsets(%dma_start3A_20 : memref<100xi32, #tpu.memory_space<vmem>>) semaphore(%arg12 : memref<!tpu.dma_semaphore, #tpu.memory_space<semaphore_mem>>)
    %dma_start3A_24 = arith.constant 2 : i32
    %dma_start3A_25 = arith.constant 2 : i32
    %dma_start3A_26 = arith.constant 0 : i32
    %dma_start3A_27 = arith.constant 0 : i32
    %dma_start3A_28 = tpu.memref_slice %arg9[%dma_start3A_25, %dma_start3A_26, %dma_start3A_27] : memref<5x100x64xf32, #tpu.memory_space<vmem>> -> memref<1x100x64xf32, #tpu.memory_space<vmem>>
    %dma_start3A_29 = tpu.memref_squeeze %dma_start3A_28 : memref<1x100x64xf32, #tpu.memory_space<vmem>> -> memref<100x64xf32, #tpu.memory_space<vmem>>
    %dma_start3A_30 = arith.constant 0 : i32
    %dma_start3A_31 = tpu.memref_slice %arg7[%dma_start3A_24, %dma_start3A_30] : memref<200x100xi32, #tpu.memory_space<vmem>> -> memref<1x100xi32, #tpu.memory_space<vmem>>
    %dma_start3A_32 = tpu.memref_squeeze %dma_start3A_31 : memref<1x100xi32, #tpu.memory_space<vmem>> -> memref<100xi32, #tpu.memory_space<vmem>>
    %dma_start3A_33 = arith.constant 0 : i32
    %dma_start3A_34 = arith.constant 0 : i32
    %dma_start3A_35 = tpu.memref_slice %arg2[%dma_start3A_33, %dma_start3A_34] : memref<20000x64xf32, #tpu.memory_space<hbm>> -> memref<20000x64xf32, #tpu.memory_space<hbm>>
    tpu.enqueue_indirect_dma source(%dma_start3A_35 : memref<20000x64xf32, #tpu.memory_space<hbm>>) target(%dma_start3A_29 : memref<100x64xf32, #tpu.memory_space<vmem>>) offsets(%dma_start3A_32 : memref<100xi32, #tpu.memory_space<vmem>>) semaphore(%arg13 : memref<!tpu.dma_semaphore, #tpu.memory_space<semaphore_mem>>)
    %dma_start3A_36 = arith.constant 3 : i32
    %dma_start3A_37 = arith.constant 3 : i32
    %dma_start3A_38 = arith.constant 0 : i32
    %dma_start3A_39 = arith.constant 0 : i32
    %dma_start3A_40 = tpu.memref_slice %arg9[%dma_start3A_37, %dma_start3A_38, %dma_start3A_39] : memref<5x100x64xf32, #tpu.memory_space<vmem>> -> memref<1x100x64xf32, #tpu.memory_space<vmem>>
    %dma_start3A_41 = tpu.memref_squeeze %dma_start3A_40 : memref<1x100x64xf32, #tpu.memory_space<vmem>> -> memref<100x64xf32, #tpu.memory_space<vmem>>
    %dma_start3A_42 = arith.constant 0 : i32
    %dma_start3A_43 = tpu.memref_slice %arg7[%dma_start3A_36, %dma_start3A_42] : memref<200x100xi32, #tpu.memory_space<vmem>> -> memref<1x100xi32, #tpu.memory_space<vmem>>
    %dma_start3A_44 = tpu.memref_squeeze %dma_start3A_43 : memref<1x100xi32, #tpu.memory_space<vmem>> -> memref<100xi32, #tpu.memory_space<vmem>>
    %dma_start3A_45 = arith.constant 0 : i32
    %dma_start3A_46 = arith.constant 0 : i32
    %dma_start3A_47 = tpu.memref_slice %arg2[%dma_start3A_45, %dma_start3A_46] : memref<20000x64xf32, #tpu.memory_space<hbm>> -> memref<20000x64xf32, #tpu.memory_space<hbm>>
    tpu.enqueue_indirect_dma source(%dma_start3A_47 : memref<20000x64xf32, #tpu.memory_space<hbm>>) target(%dma_start3A_41 : memref<100x64xf32, #tpu.memory_space<vmem>>) offsets(%dma_start3A_44 : memref<100xi32, #tpu.memory_space<vmem>>) semaphore(%arg14 : memref<!tpu.dma_semaphore, #tpu.memory_space<semaphore_mem>>)
    %scan3A = arith.constant 0 : i32
    %scan3A_48 = arith.constant 0 : i32
    %scan3A_49 = arith.constant 40 : i32
    %scan3A_50 = arith.addi %scan3A_48, %scan3A_49 : i32
    %scan3A_51 = arith.constant 1 : i32
    %scan3A_52 = scf.for %scan3A_116 = %scan3A_48 to %scan3A_50 step %scan3A_51 iter_args(%scan3A_117 = %scan3A) -> (i32)  : i32 {
      %mul3A_118 = arith.constant 5 : i32
      %mul3A_119 = arith.muli %mul3A_118, %scan3A_116 : i32
      %add3A = arith.constant 0 : i32
      %add3A_120 = arith.addi %mul3A_119, %add3A : i32
      %add3A_121 = arith.constant 5 : i32
      %add3A_122 = arith.addi %add3A_120, %add3A_121 : i32
      %sub3A = arith.constant 1 : i32
      %sub3A_123 = arith.subi %add3A_122, %sub3A : i32
      %lt3A = arith.constant 200 : i32
      %lt3A_124 = arith.cmpi slt, %sub3A_123, %lt3A : i32
      %convert_element_type3A = arith.extui %lt3A_124 : i1 to i32
      %cond3A = arith.constant 0 : i32
      %cond3A_125 = arith.cmpi ne, %convert_element_type3A, %cond3A : i32
      scf.if %cond3A_125 {
        %ge3A = arith.constant 1 : i32
        %ge3A_281 = arith.cmpi sge, %add3A_120, %ge3A : i32
        %convert_element_type3A_282 = arith.extui %ge3A_281 : i1 to i32
        %cond3A_283 = arith.constant 0 : i32
        %cond3A_284 = arith.cmpi ne, %convert_element_type3A_282, %cond3A_283 : i32
        scf.if %cond3A_284 {
          %dma_wait3A_300 = arith.constant 4 : i32
          %dma_wait3A_301 = arith.constant 0 : i32
          %dma_wait3A_302 = arith.constant 0 : i32
          %dma_wait3A_303 = arith.constant 0 : i32
          %dma_wait3A_304 = tpu.memref_slice %arg9[%dma_wait3A_300, %dma_wait3A_302, %dma_wait3A_303] : memref<5x100x64xf32, #tpu.memory_space<vmem>> -> memref<1x100x64xf32, #tpu.memory_space<vmem>>
          %dma_wait3A_305 = tpu.memref_squeeze %dma_wait3A_304 : memref<1x100x64xf32, #tpu.memory_space<vmem>> -> memref<100x64xf32, #tpu.memory_space<vmem>>
          %dma_wait3A_306 = arith.constant 0 : i32
          %dma_wait3A_307 = tpu.memref_slice %arg8[%dma_wait3A_301, %dma_wait3A_306] : memref<200x100xi32, #tpu.memory_space<vmem>> -> memref<1x100xi32, #tpu.memory_space<vmem>>
          %dma_wait3A_308 = tpu.memref_squeeze %dma_wait3A_307 : memref<1x100xi32, #tpu.memory_space<vmem>> -> memref<100xi32, #tpu.memory_space<vmem>>
          %dma_wait3A_309 = arith.constant 0 : i32
          %dma_wait3A_310 = arith.constant 0 : i32
          %dma_wait3A_311 = tpu.memref_slice %arg10[%dma_wait3A_309, %dma_wait3A_310] : memref<10000x64xf32, #tpu.memory_space<vmem_shared>> -> memref<10000x64xf32, #tpu.memory_space<vmem_shared>>
          tpu.wait_indirect_dma semaphore(%arg20 : memref<!tpu.dma_semaphore, #tpu.memory_space<semaphore_mem>>) src(%dma_wait3A_305 : memref<100x64xf32, #tpu.memory_space<vmem>>) dst(%dma_wait3A_311 : memref<10000x64xf32, #tpu.memory_space<vmem_shared>>)
        } else {
        }
        %add3A_285 = arith.constant 5 : i32
        %add3A_286 = arith.addi %add3A_120, %add3A_285 : i32
        %sub3A_287 = arith.constant 1 : i32
        %sub3A_288 = arith.subi %add3A_286, %sub3A_287 : i32
        %dma_start3A_289 = arith.constant 4 : i32
        %dma_start3A_290 = arith.constant 0 : i32
        %dma_start3A_291 = arith.constant 0 : i32
        %dma_start3A_292 = tpu.memref_slice %arg9[%dma_start3A_289, %dma_start3A_290, %dma_start3A_291] : memref<5x100x64xf32, #tpu.memory_space<vmem>> -> memref<1x100x64xf32, #tpu.memory_space<vmem>>
        %dma_start3A_293 = tpu.memref_squeeze %dma_start3A_292 : memref<1x100x64xf32, #tpu.memory_space<vmem>> -> memref<100x64xf32, #tpu.memory_space<vmem>>
        %dma_start3A_294 = arith.constant 0 : i32
        %dma_start3A_295 = tpu.memref_slice %arg7[%sub3A_288, %dma_start3A_294] : memref<200x100xi32, #tpu.memory_space<vmem>> -> memref<1x100xi32, #tpu.memory_space<vmem>>
        %dma_start3A_296 = tpu.memref_squeeze %dma_start3A_295 : memref<1x100xi32, #tpu.memory_space<vmem>> -> memref<100xi32, #tpu.memory_space<vmem>>
        %dma_start3A_297 = arith.constant 0 : i32
        %dma_start3A_298 = arith.constant 0 : i32
        %dma_start3A_299 = tpu.memref_slice %arg2[%dma_start3A_297, %dma_start3A_298] : memref<20000x64xf32, #tpu.memory_space<hbm>> -> memref<20000x64xf32, #tpu.memory_space<hbm>>
        tpu.enqueue_indirect_dma source(%dma_start3A_299 : memref<20000x64xf32, #tpu.memory_space<hbm>>) target(%dma_start3A_293 : memref<100x64xf32, #tpu.memory_space<vmem>>) offsets(%dma_start3A_296 : memref<100xi32, #tpu.memory_space<vmem>>) semaphore(%arg15 : memref<!tpu.dma_semaphore, #tpu.memory_space<semaphore_mem>>)
      } else {
      }
      %dma_wait3A_126 = arith.constant 0 : i32
      %dma_wait3A_127 = arith.constant 0 : i32
      %dma_wait3A_128 = arith.constant 0 : i32
      %dma_wait3A_129 = tpu.memref_slice %arg9[%dma_wait3A_126, %dma_wait3A_127, %dma_wait3A_128] : memref<5x100x64xf32, #tpu.memory_space<vmem>> -> memref<1x100x64xf32, #tpu.memory_space<vmem>>
      %dma_wait3A_130 = tpu.memref_squeeze %dma_wait3A_129 : memref<1x100x64xf32, #tpu.memory_space<vmem>> -> memref<100x64xf32, #tpu.memory_space<vmem>>
      %dma_wait3A_131 = arith.constant 0 : i32
      %dma_wait3A_132 = tpu.memref_slice %arg7[%add3A_120, %dma_wait3A_131] : memref<200x100xi32, #tpu.memory_space<vmem>> -> memref<1x100xi32, #tpu.memory_space<vmem>>
      %dma_wait3A_133 = tpu.memref_squeeze %dma_wait3A_132 : memref<1x100xi32, #tpu.memory_space<vmem>> -> memref<100xi32, #tpu.memory_space<vmem>>
      %dma_wait3A_134 = arith.constant 0 : i32
      %dma_wait3A_135 = arith.constant 0 : i32
      %dma_wait3A_136 = tpu.memref_slice %arg2[%dma_wait3A_134, %dma_wait3A_135] : memref<20000x64xf32, #tpu.memory_space<hbm>> -> memref<20000x64xf32, #tpu.memory_space<hbm>>
      tpu.wait_indirect_dma semaphore(%arg11 : memref<!tpu.dma_semaphore, #tpu.memory_space<semaphore_mem>>) src(%dma_wait3A_136 : memref<20000x64xf32, #tpu.memory_space<hbm>>) dst(%dma_wait3A_130 : memref<100x64xf32, #tpu.memory_space<vmem>>)
      %dma_start3A_137 = arith.constant 0 : i32
      %dma_start3A_138 = arith.constant 0 : i32
      %dma_start3A_139 = arith.constant 0 : i32
      %dma_start3A_140 = tpu.memref_slice %arg9[%dma_start3A_137, %dma_start3A_138, %dma_start3A_139] : memref<5x100x64xf32, #tpu.memory_space<vmem>> -> memref<1x100x64xf32, #tpu.memory_space<vmem>>
      %dma_start3A_141 = tpu.memref_squeeze %dma_start3A_140 : memref<1x100x64xf32, #tpu.memory_space<vmem>> -> memref<100x64xf32, #tpu.memory_space<vmem>>
      %dma_start3A_142 = arith.constant 0 : i32
      %dma_start3A_143 = tpu.memref_slice %arg8[%add3A_120, %dma_start3A_142] : memref<200x100xi32, #tpu.memory_space<vmem>> -> memref<1x100xi32, #tpu.memory_space<vmem>>
      %dma_start3A_144 = tpu.memref_squeeze %dma_start3A_143 : memref<1x100xi32, #tpu.memory_space<vmem>> -> memref<100xi32, #tpu.memory_space<vmem>>
      %dma_start3A_145 = arith.constant 0 : i32
      %dma_start3A_146 = arith.constant 0 : i32
      %dma_start3A_147 = tpu.memref_slice %arg10[%dma_start3A_145, %dma_start3A_146] : memref<10000x64xf32, #tpu.memory_space<vmem_shared>> -> memref<10000x64xf32, #tpu.memory_space<vmem_shared>>
      tpu.enqueue_indirect_dma source(%dma_start3A_141 : memref<100x64xf32, #tpu.memory_space<vmem>>) target(%dma_start3A_147 : memref<10000x64xf32, #tpu.memory_space<vmem_shared>>) offsets(%dma_start3A_144 : memref<100xi32, #tpu.memory_space<vmem>>) semaphore(%arg16 : memref<!tpu.dma_semaphore, #tpu.memory_space<semaphore_mem>>) {add = true}
      %add3A_148 = arith.constant 1 : i32
      %add3A_149 = arith.addi %mul3A_119, %add3A_148 : i32
      %add3A_150 = arith.constant 5 : i32
      %add3A_151 = arith.addi %add3A_149, %add3A_150 : i32
      %sub3A_152 = arith.constant 1 : i32
      %sub3A_153 = arith.subi %add3A_151, %sub3A_152 : i32
      %lt3A_154 = arith.constant 200 : i32
      %lt3A_155 = arith.cmpi slt, %sub3A_153, %lt3A_154 : i32
      %convert_element_type3A_156 = arith.extui %lt3A_155 : i1 to i32
      %cond3A_157 = arith.constant 0 : i32
      %cond3A_158 = arith.cmpi ne, %convert_element_type3A_156, %cond3A_157 : i32
      scf.if %cond3A_158 {
        %ge3A = arith.constant 1 : i32
        %ge3A_281 = arith.cmpi sge, %add3A_149, %ge3A : i32
        %convert_element_type3A_282 = arith.extui %ge3A_281 : i1 to i32
        %cond3A_283 = arith.constant 0 : i32
        %cond3A_284 = arith.cmpi ne, %convert_element_type3A_282, %cond3A_283 : i32
        scf.if %cond3A_284 {
          %dma_wait3A_300 = arith.constant 0 : i32
          %dma_wait3A_301 = arith.constant 0 : i32
          %dma_wait3A_302 = arith.constant 0 : i32
          %dma_wait3A_303 = arith.constant 0 : i32
          %dma_wait3A_304 = tpu.memref_slice %arg9[%dma_wait3A_300, %dma_wait3A_302, %dma_wait3A_303] : memref<5x100x64xf32, #tpu.memory_space<vmem>> -> memref<1x100x64xf32, #tpu.memory_space<vmem>>
          %dma_wait3A_305 = tpu.memref_squeeze %dma_wait3A_304 : memref<1x100x64xf32, #tpu.memory_space<vmem>> -> memref<100x64xf32, #tpu.memory_space<vmem>>
          %dma_wait3A_306 = arith.constant 0 : i32
          %dma_wait3A_307 = tpu.memref_slice %arg8[%dma_wait3A_301, %dma_wait3A_306] : memref<200x100xi32, #tpu.memory_space<vmem>> -> memref<1x100xi32, #tpu.memory_space<vmem>>
          %dma_wait3A_308 = tpu.memref_squeeze %dma_wait3A_307 : memref<1x100xi32, #tpu.memory_space<vmem>> -> memref<100xi32, #tpu.memory_space<vmem>>
          %dma_wait3A_309 = arith.constant 0 : i32
          %dma_wait3A_310 = arith.constant 0 : i32
          %dma_wait3A_311 = tpu.memref_slice %arg10[%dma_wait3A_309, %dma_wait3A_310] : memref<10000x64xf32, #tpu.memory_space<vmem_shared>> -> memref<10000x64xf32, #tpu.memory_space<vmem_shared>>
          tpu.wait_indirect_dma semaphore(%arg16 : memref<!tpu.dma_semaphore, #tpu.memory_space<semaphore_mem>>) src(%dma_wait3A_305 : memref<100x64xf32, #tpu.memory_space<vmem>>) dst(%dma_wait3A_311 : memref<10000x64xf32, #tpu.memory_space<vmem_shared>>)
        } else {
        }
        %add3A_285 = arith.constant 5 : i32
        %add3A_286 = arith.addi %add3A_149, %add3A_285 : i32
        %sub3A_287 = arith.constant 1 : i32
        %sub3A_288 = arith.subi %add3A_286, %sub3A_287 : i32
        %dma_start3A_289 = arith.constant 0 : i32
        %dma_start3A_290 = arith.constant 0 : i32
        %dma_start3A_291 = arith.constant 0 : i32
        %dma_start3A_292 = tpu.memref_slice %arg9[%dma_start3A_289, %dma_start3A_290, %dma_start3A_291] : memref<5x100x64xf32, #tpu.memory_space<vmem>> -> memref<1x100x64xf32, #tpu.memory_space<vmem>>
        %dma_start3A_293 = tpu.memref_squeeze %dma_start3A_292 : memref<1x100x64xf32, #tpu.memory_space<vmem>> -> memref<100x64xf32, #tpu.memory_space<vmem>>
        %dma_start3A_294 = arith.constant 0 : i32
        %dma_start3A_295 = tpu.memref_slice %arg7[%sub3A_288, %dma_start3A_294] : memref<200x100xi32, #tpu.memory_space<vmem>> -> memref<1x100xi32, #tpu.memory_space<vmem>>
        %dma_start3A_296 = tpu.memref_squeeze %dma_start3A_295 : memref<1x100xi32, #tpu.memory_space<vmem>> -> memref<100xi32, #tpu.memory_space<vmem>>
        %dma_start3A_297 = arith.constant 0 : i32
        %dma_start3A_298 = arith.constant 0 : i32
        %dma_start3A_299 = tpu.memref_slice %arg2[%dma_start3A_297, %dma_start3A_298] : memref<20000x64xf32, #tpu.memory_space<hbm>> -> memref<20000x64xf32, #tpu.memory_space<hbm>>
        tpu.enqueue_indirect_dma source(%dma_start3A_299 : memref<20000x64xf32, #tpu.memory_space<hbm>>) target(%dma_start3A_293 : memref<100x64xf32, #tpu.memory_space<vmem>>) offsets(%dma_start3A_296 : memref<100xi32, #tpu.memory_space<vmem>>) semaphore(%arg11 : memref<!tpu.dma_semaphore, #tpu.memory_space<semaphore_mem>>)
      } else {
      }
      %dma_wait3A_159 = arith.constant 1 : i32
      %dma_wait3A_160 = arith.constant 0 : i32
      %dma_wait3A_161 = arith.constant 0 : i32
      %dma_wait3A_162 = tpu.memref_slice %arg9[%dma_wait3A_159, %dma_wait3A_160, %dma_wait3A_161] : memref<5x100x64xf32, #tpu.memory_space<vmem>> -> memref<1x100x64xf32, #tpu.memory_space<vmem>>
      %dma_wait3A_163 = tpu.memref_squeeze %dma_wait3A_162 : memref<1x100x64xf32, #tpu.memory_space<vmem>> -> memref<100x64xf32, #tpu.memory_space<vmem>>
      %dma_wait3A_164 = arith.constant 0 : i32
      %dma_wait3A_165 = tpu.memref_slice %arg7[%add3A_149, %dma_wait3A_164] : memref<200x100xi32, #tpu.memory_space<vmem>> -> memref<1x100xi32, #tpu.memory_space<vmem>>
      %dma_wait3A_166 = tpu.memref_squeeze %dma_wait3A_165 : memref<1x100xi32, #tpu.memory_space<vmem>> -> memref<100xi32, #tpu.memory_space<vmem>>
      %dma_wait3A_167 = arith.constant 0 : i32
      %dma_wait3A_168 = arith.constant 0 : i32
      %dma_wait3A_169 = tpu.memref_slice %arg2[%dma_wait3A_167, %dma_wait3A_168] : memref<20000x64xf32, #tpu.memory_space<hbm>> -> memref<20000x64xf32, #tpu.memory_space<hbm>>
      tpu.wait_indirect_dma semaphore(%arg12 : memref<!tpu.dma_semaphore, #tpu.memory_space<semaphore_mem>>) src(%dma_wait3A_169 : memref<20000x64xf32, #tpu.memory_space<hbm>>) dst(%dma_wait3A_163 : memref<100x64xf32, #tpu.memory_space<vmem>>)
      %dma_start3A_170 = arith.constant 1 : i32
      %dma_start3A_171 = arith.constant 0 : i32
      %dma_start3A_172 = arith.constant 0 : i32
      %dma_start3A_173 = tpu.memref_slice %arg9[%dma_start3A_170, %dma_start3A_171, %dma_start3A_172] : memref<5x100x64xf32, #tpu.memory_space<vmem>> -> memref<1x100x64xf32, #tpu.memory_space<vmem>>
      %dma_start3A_174 = tpu.memref_squeeze %dma_start3A_173 : memref<1x100x64xf32, #tpu.memory_space<vmem>> -> memref<100x64xf32, #tpu.memory_space<vmem>>
      %dma_start3A_175 = arith.constant 0 : i32
      %dma_start3A_176 = tpu.memref_slice %arg8[%add3A_149, %dma_start3A_175] : memref<200x100xi32, #tpu.memory_space<vmem>> -> memref<1x100xi32, #tpu.memory_space<vmem>>
      %dma_start3A_177 = tpu.memref_squeeze %dma_start3A_176 : memref<1x100xi32, #tpu.memory_space<vmem>> -> memref<100xi32, #tpu.memory_space<vmem>>
      %dma_start3A_178 = arith.constant 0 : i32
      %dma_start3A_179 = arith.constant 0 : i32
      %dma_start3A_180 = tpu.memref_slice %arg10[%dma_start3A_178, %dma_start3A_179] : memref<10000x64xf32, #tpu.memory_space<vmem_shared>> -> memref<10000x64xf32, #tpu.memory_space<vmem_shared>>
      tpu.enqueue_indirect_dma source(%dma_start3A_174 : memref<100x64xf32, #tpu.memory_space<vmem>>) target(%dma_start3A_180 : memref<10000x64xf32, #tpu.memory_space<vmem_shared>>) offsets(%dma_start3A_177 : memref<100xi32, #tpu.memory_space<vmem>>) semaphore(%arg17 : memref<!tpu.dma_semaphore, #tpu.memory_space<semaphore_mem>>) {add = true}
      %add3A_181 = arith.constant 2 : i32
      %add3A_182 = arith.addi %mul3A_119, %add3A_181 : i32
      %add3A_183 = arith.constant 5 : i32
      %add3A_184 = arith.addi %add3A_182, %add3A_183 : i32
      %sub3A_185 = arith.constant 1 : i32
      %sub3A_186 = arith.subi %add3A_184, %sub3A_185 : i32
      %lt3A_187 = arith.constant 200 : i32
      %lt3A_188 = arith.cmpi slt, %sub3A_186, %lt3A_187 : i32
      %convert_element_type3A_189 = arith.extui %lt3A_188 : i1 to i32
      %cond3A_190 = arith.constant 0 : i32
      %cond3A_191 = arith.cmpi ne, %convert_element_type3A_189, %cond3A_190 : i32
      scf.if %cond3A_191 {
        %ge3A = arith.constant 1 : i32
        %ge3A_281 = arith.cmpi sge, %add3A_182, %ge3A : i32
        %convert_element_type3A_282 = arith.extui %ge3A_281 : i1 to i32
        %cond3A_283 = arith.constant 0 : i32
        %cond3A_284 = arith.cmpi ne, %convert_element_type3A_282, %cond3A_283 : i32
        scf.if %cond3A_284 {
          %dma_wait3A_300 = arith.constant 1 : i32
          %dma_wait3A_301 = arith.constant 0 : i32
          %dma_wait3A_302 = arith.constant 0 : i32
          %dma_wait3A_303 = arith.constant 0 : i32
          %dma_wait3A_304 = tpu.memref_slice %arg9[%dma_wait3A_300, %dma_wait3A_302, %dma_wait3A_303] : memref<5x100x64xf32, #tpu.memory_space<vmem>> -> memref<1x100x64xf32, #tpu.memory_space<vmem>>
          %dma_wait3A_305 = tpu.memref_squeeze %dma_wait3A_304 : memref<1x100x64xf32, #tpu.memory_space<vmem>> -> memref<100x64xf32, #tpu.memory_space<vmem>>
          %dma_wait3A_306 = arith.constant 0 : i32
          %dma_wait3A_307 = tpu.memref_slice %arg8[%dma_wait3A_301, %dma_wait3A_306] : memref<200x100xi32, #tpu.memory_space<vmem>> -> memref<1x100xi32, #tpu.memory_space<vmem>>
          %dma_wait3A_308 = tpu.memref_squeeze %dma_wait3A_307 : memref<1x100xi32, #tpu.memory_space<vmem>> -> memref<100xi32, #tpu.memory_space<vmem>>
          %dma_wait3A_309 = arith.constant 0 : i32
          %dma_wait3A_310 = arith.constant 0 : i32
          %dma_wait3A_311 = tpu.memref_slice %arg10[%dma_wait3A_309, %dma_wait3A_310] : memref<10000x64xf32, #tpu.memory_space<vmem_shared>> -> memref<10000x64xf32, #tpu.memory_space<vmem_shared>>
          tpu.wait_indirect_dma semaphore(%arg17 : memref<!tpu.dma_semaphore, #tpu.memory_space<semaphore_mem>>) src(%dma_wait3A_305 : memref<100x64xf32, #tpu.memory_space<vmem>>) dst(%dma_wait3A_311 : memref<10000x64xf32, #tpu.memory_space<vmem_shared>>)
        } else {
        }
        %add3A_285 = arith.constant 5 : i32
        %add3A_286 = arith.addi %add3A_182, %add3A_285 : i32
        %sub3A_287 = arith.constant 1 : i32
        %sub3A_288 = arith.subi %add3A_286, %sub3A_287 : i32
        %dma_start3A_289 = arith.constant 1 : i32
        %dma_start3A_290 = arith.constant 0 : i32
        %dma_start3A_291 = arith.constant 0 : i32
        %dma_start3A_292 = tpu.memref_slice %arg9[%dma_start3A_289, %dma_start3A_290, %dma_start3A_291] : memref<5x100x64xf32, #tpu.memory_space<vmem>> -> memref<1x100x64xf32, #tpu.memory_space<vmem>>
        %dma_start3A_293 = tpu.memref_squeeze %dma_start3A_292 : memref<1x100x64xf32, #tpu.memory_space<vmem>> -> memref<100x64xf32, #tpu.memory_space<vmem>>
        %dma_start3A_294 = arith.constant 0 : i32
        %dma_start3A_295 = tpu.memref_slice %arg7[%sub3A_288, %dma_start3A_294] : memref<200x100xi32, #tpu.memory_space<vmem>> -> memref<1x100xi32, #tpu.memory_space<vmem>>
        %dma_start3A_296 = tpu.memref_squeeze %dma_start3A_295 : memref<1x100xi32, #tpu.memory_space<vmem>> -> memref<100xi32, #tpu.memory_space<vmem>>
        %dma_start3A_297 = arith.constant 0 : i32
        %dma_start3A_298 = arith.constant 0 : i32
        %dma_start3A_299 = tpu.memref_slice %arg2[%dma_start3A_297, %dma_start3A_298] : memref<20000x64xf32, #tpu.memory_space<hbm>> -> memref<20000x64xf32, #tpu.memory_space<hbm>>
        tpu.enqueue_indirect_dma source(%dma_start3A_299 : memref<20000x64xf32, #tpu.memory_space<hbm>>) target(%dma_start3A_293 : memref<100x64xf32, #tpu.memory_space<vmem>>) offsets(%dma_start3A_296 : memref<100xi32, #tpu.memory_space<vmem>>) semaphore(%arg12 : memref<!tpu.dma_semaphore, #tpu.memory_space<semaphore_mem>>)
      } else {
      }
      %dma_wait3A_192 = arith.constant 2 : i32
      %dma_wait3A_193 = arith.constant 0 : i32
      %dma_wait3A_194 = arith.constant 0 : i32
      %dma_wait3A_195 = tpu.memref_slice %arg9[%dma_wait3A_192, %dma_wait3A_193, %dma_wait3A_194] : memref<5x100x64xf32, #tpu.memory_space<vmem>> -> memref<1x100x64xf32, #tpu.memory_space<vmem>>
      %dma_wait3A_196 = tpu.memref_squeeze %dma_wait3A_195 : memref<1x100x64xf32, #tpu.memory_space<vmem>> -> memref<100x64xf32, #tpu.memory_space<vmem>>
      %dma_wait3A_197 = arith.constant 0 : i32
      %dma_wait3A_198 = tpu.memref_slice %arg7[%add3A_182, %dma_wait3A_197] : memref<200x100xi32, #tpu.memory_space<vmem>> -> memref<1x100xi32, #tpu.memory_space<vmem>>
      %dma_wait3A_199 = tpu.memref_squeeze %dma_wait3A_198 : memref<1x100xi32, #tpu.memory_space<vmem>> -> memref<100xi32, #tpu.memory_space<vmem>>
      %dma_wait3A_200 = arith.constant 0 : i32
      %dma_wait3A_201 = arith.constant 0 : i32
      %dma_wait3A_202 = tpu.memref_slice %arg2[%dma_wait3A_200, %dma_wait3A_201] : memref<20000x64xf32, #tpu.memory_space<hbm>> -> memref<20000x64xf32, #tpu.memory_space<hbm>>
      tpu.wait_indirect_dma semaphore(%arg13 : memref<!tpu.dma_semaphore, #tpu.memory_space<semaphore_mem>>) src(%dma_wait3A_202 : memref<20000x64xf32, #tpu.memory_space<hbm>>) dst(%dma_wait3A_196 : memref<100x64xf32, #tpu.memory_space<vmem>>)
      %dma_start3A_203 = arith.constant 2 : i32
      %dma_start3A_204 = arith.constant 0 : i32
      %dma_start3A_205 = arith.constant 0 : i32
      %dma_start3A_206 = tpu.memref_slice %arg9[%dma_start3A_203, %dma_start3A_204, %dma_start3A_205] : memref<5x100x64xf32, #tpu.memory_space<vmem>> -> memref<1x100x64xf32, #tpu.memory_space<vmem>>
      %dma_start3A_207 = tpu.memref_squeeze %dma_start3A_206 : memref<1x100x64xf32, #tpu.memory_space<vmem>> -> memref<100x64xf32, #tpu.memory_space<vmem>>
      %dma_start3A_208 = arith.constant 0 : i32
      %dma_start3A_209 = tpu.memref_slice %arg8[%add3A_182, %dma_start3A_208] : memref<200x100xi32, #tpu.memory_space<vmem>> -> memref<1x100xi32, #tpu.memory_space<vmem>>
      %dma_start3A_210 = tpu.memref_squeeze %dma_start3A_209 : memref<1x100xi32, #tpu.memory_space<vmem>> -> memref<100xi32, #tpu.memory_space<vmem>>
      %dma_start3A_211 = arith.constant 0 : i32
      %dma_start3A_212 = arith.constant 0 : i32
      %dma_start3A_213 = tpu.memref_slice %arg10[%dma_start3A_211, %dma_start3A_212] : memref<10000x64xf32, #tpu.memory_space<vmem_shared>> -> memref<10000x64xf32, #tpu.memory_space<vmem_shared>>
      tpu.enqueue_indirect_dma source(%dma_start3A_207 : memref<100x64xf32, #tpu.memory_space<vmem>>) target(%dma_start3A_213 : memref<10000x64xf32, #tpu.memory_space<vmem_shared>>) offsets(%dma_start3A_210 : memref<100xi32, #tpu.memory_space<vmem>>) semaphore(%arg18 : memref<!tpu.dma_semaphore, #tpu.memory_space<semaphore_mem>>) {add = true}
      %add3A_214 = arith.constant 3 : i32
      %add3A_215 = arith.addi %mul3A_119, %add3A_214 : i32
      %add3A_216 = arith.constant 5 : i32
      %add3A_217 = arith.addi %add3A_215, %add3A_216 : i32
      %sub3A_218 = arith.constant 1 : i32
      %sub3A_219 = arith.subi %add3A_217, %sub3A_218 : i32
      %lt3A_220 = arith.constant 200 : i32
      %lt3A_221 = arith.cmpi slt, %sub3A_219, %lt3A_220 : i32
      %convert_element_type3A_222 = arith.extui %lt3A_221 : i1 to i32
      %cond3A_223 = arith.constant 0 : i32
      %cond3A_224 = arith.cmpi ne, %convert_element_type3A_222, %cond3A_223 : i32
      scf.if %cond3A_224 {
        %ge3A = arith.constant 1 : i32
        %ge3A_281 = arith.cmpi sge, %add3A_215, %ge3A : i32
        %convert_element_type3A_282 = arith.extui %ge3A_281 : i1 to i32
        %cond3A_283 = arith.constant 0 : i32
        %cond3A_284 = arith.cmpi ne, %convert_element_type3A_282, %cond3A_283 : i32
        scf.if %cond3A_284 {
          %dma_wait3A_300 = arith.constant 2 : i32
          %dma_wait3A_301 = arith.constant 0 : i32
          %dma_wait3A_302 = arith.constant 0 : i32
          %dma_wait3A_303 = arith.constant 0 : i32
          %dma_wait3A_304 = tpu.memref_slice %arg9[%dma_wait3A_300, %dma_wait3A_302, %dma_wait3A_303] : memref<5x100x64xf32, #tpu.memory_space<vmem>> -> memref<1x100x64xf32, #tpu.memory_space<vmem>>
          %dma_wait3A_305 = tpu.memref_squeeze %dma_wait3A_304 : memref<1x100x64xf32, #tpu.memory_space<vmem>> -> memref<100x64xf32, #tpu.memory_space<vmem>>
          %dma_wait3A_306 = arith.constant 0 : i32
          %dma_wait3A_307 = tpu.memref_slice %arg8[%dma_wait3A_301, %dma_wait3A_306] : memref<200x100xi32, #tpu.memory_space<vmem>> -> memref<1x100xi32, #tpu.memory_space<vmem>>
          %dma_wait3A_308 = tpu.memref_squeeze %dma_wait3A_307 : memref<1x100xi32, #tpu.memory_space<vmem>> -> memref<100xi32, #tpu.memory_space<vmem>>
          %dma_wait3A_309 = arith.constant 0 : i32
          %dma_wait3A_310 = arith.constant 0 : i32
          %dma_wait3A_311 = tpu.memref_slice %arg10[%dma_wait3A_309, %dma_wait3A_310] : memref<10000x64xf32, #tpu.memory_space<vmem_shared>> -> memref<10000x64xf32, #tpu.memory_space<vmem_shared>>
          tpu.wait_indirect_dma semaphore(%arg18 : memref<!tpu.dma_semaphore, #tpu.memory_space<semaphore_mem>>) src(%dma_wait3A_305 : memref<100x64xf32, #tpu.memory_space<vmem>>) dst(%dma_wait3A_311 : memref<10000x64xf32, #tpu.memory_space<vmem_shared>>)
        } else {
        }
        %add3A_285 = arith.constant 5 : i32
        %add3A_286 = arith.addi %add3A_215, %add3A_285 : i32
        %sub3A_287 = arith.constant 1 : i32
        %sub3A_288 = arith.subi %add3A_286, %sub3A_287 : i32
        %dma_start3A_289 = arith.constant 2 : i32
        %dma_start3A_290 = arith.constant 0 : i32
        %dma_start3A_291 = arith.constant 0 : i32
        %dma_start3A_292 = tpu.memref_slice %arg9[%dma_start3A_289, %dma_start3A_290, %dma_start3A_291] : memref<5x100x64xf32, #tpu.memory_space<vmem>> -> memref<1x100x64xf32, #tpu.memory_space<vmem>>
        %dma_start3A_293 = tpu.memref_squeeze %dma_start3A_292 : memref<1x100x64xf32, #tpu.memory_space<vmem>> -> memref<100x64xf32, #tpu.memory_space<vmem>>
        %dma_start3A_294 = arith.constant 0 : i32
        %dma_start3A_295 = tpu.memref_slice %arg7[%sub3A_288, %dma_start3A_294] : memref<200x100xi32, #tpu.memory_space<vmem>> -> memref<1x100xi32, #tpu.memory_space<vmem>>
        %dma_start3A_296 = tpu.memref_squeeze %dma_start3A_295 : memref<1x100xi32, #tpu.memory_space<vmem>> -> memref<100xi32, #tpu.memory_space<vmem>>
        %dma_start3A_297 = arith.constant 0 : i32
        %dma_start3A_298 = arith.constant 0 : i32
        %dma_start3A_299 = tpu.memref_slice %arg2[%dma_start3A_297, %dma_start3A_298] : memref<20000x64xf32, #tpu.memory_space<hbm>> -> memref<20000x64xf32, #tpu.memory_space<hbm>>
        tpu.enqueue_indirect_dma source(%dma_start3A_299 : memref<20000x64xf32, #tpu.memory_space<hbm>>) target(%dma_start3A_293 : memref<100x64xf32, #tpu.memory_space<vmem>>) offsets(%dma_start3A_296 : memref<100xi32, #tpu.memory_space<vmem>>) semaphore(%arg13 : memref<!tpu.dma_semaphore, #tpu.memory_space<semaphore_mem>>)
      } else {
      }
      %dma_wait3A_225 = arith.constant 3 : i32
      %dma_wait3A_226 = arith.constant 0 : i32
      %dma_wait3A_227 = arith.constant 0 : i32
      %dma_wait3A_228 = tpu.memref_slice %arg9[%dma_wait3A_225, %dma_wait3A_226, %dma_wait3A_227] : memref<5x100x64xf32, #tpu.memory_space<vmem>> -> memref<1x100x64xf32, #tpu.memory_space<vmem>>
      %dma_wait3A_229 = tpu.memref_squeeze %dma_wait3A_228 : memref<1x100x64xf32, #tpu.memory_space<vmem>> -> memref<100x64xf32, #tpu.memory_space<vmem>>
      %dma_wait3A_230 = arith.constant 0 : i32
      %dma_wait3A_231 = tpu.memref_slice %arg7[%add3A_215, %dma_wait3A_230] : memref<200x100xi32, #tpu.memory_space<vmem>> -> memref<1x100xi32, #tpu.memory_space<vmem>>
      %dma_wait3A_232 = tpu.memref_squeeze %dma_wait3A_231 : memref<1x100xi32, #tpu.memory_space<vmem>> -> memref<100xi32, #tpu.memory_space<vmem>>
      %dma_wait3A_233 = arith.constant 0 : i32
      %dma_wait3A_234 = arith.constant 0 : i32
      %dma_wait3A_235 = tpu.memref_slice %arg2[%dma_wait3A_233, %dma_wait3A_234] : memref<20000x64xf32, #tpu.memory_space<hbm>> -> memref<20000x64xf32, #tpu.memory_space<hbm>>
      tpu.wait_indirect_dma semaphore(%arg14 : memref<!tpu.dma_semaphore, #tpu.memory_space<semaphore_mem>>) src(%dma_wait3A_235 : memref<20000x64xf32, #tpu.memory_space<hbm>>) dst(%dma_wait3A_229 : memref<100x64xf32, #tpu.memory_space<vmem>>)
      %dma_start3A_236 = arith.constant 3 : i32
      %dma_start3A_237 = arith.constant 0 : i32
      %dma_start3A_238 = arith.constant 0 : i32
      %dma_start3A_239 = tpu.memref_slice %arg9[%dma_start3A_236, %dma_start3A_237, %dma_start3A_238] : memref<5x100x64xf32, #tpu.memory_space<vmem>> -> memref<1x100x64xf32, #tpu.memory_space<vmem>>
      %dma_start3A_240 = tpu.memref_squeeze %dma_start3A_239 : memref<1x100x64xf32, #tpu.memory_space<vmem>> -> memref<100x64xf32, #tpu.memory_space<vmem>>
      %dma_start3A_241 = arith.constant 0 : i32
      %dma_start3A_242 = tpu.memref_slice %arg8[%add3A_215, %dma_start3A_241] : memref<200x100xi32, #tpu.memory_space<vmem>> -> memref<1x100xi32, #tpu.memory_space<vmem>>
      %dma_start3A_243 = tpu.memref_squeeze %dma_start3A_242 : memref<1x100xi32, #tpu.memory_space<vmem>> -> memref<100xi32, #tpu.memory_space<vmem>>
      %dma_start3A_244 = arith.constant 0 : i32
      %dma_start3A_245 = arith.constant 0 : i32
      %dma_start3A_246 = tpu.memref_slice %arg10[%dma_start3A_244, %dma_start3A_245] : memref<10000x64xf32, #tpu.memory_space<vmem_shared>> -> memref<10000x64xf32, #tpu.memory_space<vmem_shared>>
      tpu.enqueue_indirect_dma source(%dma_start3A_240 : memref<100x64xf32, #tpu.memory_space<vmem>>) target(%dma_start3A_246 : memref<10000x64xf32, #tpu.memory_space<vmem_shared>>) offsets(%dma_start3A_243 : memref<100xi32, #tpu.memory_space<vmem>>) semaphore(%arg19 : memref<!tpu.dma_semaphore, #tpu.memory_space<semaphore_mem>>) {add = true}
      %add3A_247 = arith.constant 4 : i32
      %add3A_248 = arith.addi %mul3A_119, %add3A_247 : i32
      %add3A_249 = arith.constant 5 : i32
      %add3A_250 = arith.addi %add3A_248, %add3A_249 : i32
      %sub3A_251 = arith.constant 1 : i32
      %sub3A_252 = arith.subi %add3A_250, %sub3A_251 : i32
      %lt3A_253 = arith.constant 200 : i32
      %lt3A_254 = arith.cmpi slt, %sub3A_252, %lt3A_253 : i32
      %convert_element_type3A_255 = arith.extui %lt3A_254 : i1 to i32
      %cond3A_256 = arith.constant 0 : i32
      %cond3A_257 = arith.cmpi ne, %convert_element_type3A_255, %cond3A_256 : i32
      scf.if %cond3A_257 {
        %ge3A = arith.constant 1 : i32
        %ge3A_281 = arith.cmpi sge, %add3A_248, %ge3A : i32
        %convert_element_type3A_282 = arith.extui %ge3A_281 : i1 to i32
        %cond3A_283 = arith.constant 0 : i32
        %cond3A_284 = arith.cmpi ne, %convert_element_type3A_282, %cond3A_283 : i32
        scf.if %cond3A_284 {
          %dma_wait3A_300 = arith.constant 3 : i32
          %dma_wait3A_301 = arith.constant 0 : i32
          %dma_wait3A_302 = arith.constant 0 : i32
          %dma_wait3A_303 = arith.constant 0 : i32
          %dma_wait3A_304 = tpu.memref_slice %arg9[%dma_wait3A_300, %dma_wait3A_302, %dma_wait3A_303] : memref<5x100x64xf32, #tpu.memory_space<vmem>> -> memref<1x100x64xf32, #tpu.memory_space<vmem>>
          %dma_wait3A_305 = tpu.memref_squeeze %dma_wait3A_304 : memref<1x100x64xf32, #tpu.memory_space<vmem>> -> memref<100x64xf32, #tpu.memory_space<vmem>>
          %dma_wait3A_306 = arith.constant 0 : i32
          %dma_wait3A_307 = tpu.memref_slice %arg8[%dma_wait3A_301, %dma_wait3A_306] : memref<200x100xi32, #tpu.memory_space<vmem>> -> memref<1x100xi32, #tpu.memory_space<vmem>>
          %dma_wait3A_308 = tpu.memref_squeeze %dma_wait3A_307 : memref<1x100xi32, #tpu.memory_space<vmem>> -> memref<100xi32, #tpu.memory_space<vmem>>
          %dma_wait3A_309 = arith.constant 0 : i32
          %dma_wait3A_310 = arith.constant 0 : i32
          %dma_wait3A_311 = tpu.memref_slice %arg10[%dma_wait3A_309, %dma_wait3A_310] : memref<10000x64xf32, #tpu.memory_space<vmem_shared>> -> memref<10000x64xf32, #tpu.memory_space<vmem_shared>>
          tpu.wait_indirect_dma semaphore(%arg19 : memref<!tpu.dma_semaphore, #tpu.memory_space<semaphore_mem>>) src(%dma_wait3A_305 : memref<100x64xf32, #tpu.memory_space<vmem>>) dst(%dma_wait3A_311 : memref<10000x64xf32, #tpu.memory_space<vmem_shared>>)
        } else {
        }
        %add3A_285 = arith.constant 5 : i32
        %add3A_286 = arith.addi %add3A_248, %add3A_285 : i32
        %sub3A_287 = arith.constant 1 : i32
        %sub3A_288 = arith.subi %add3A_286, %sub3A_287 : i32
        %dma_start3A_289 = arith.constant 3 : i32
        %dma_start3A_290 = arith.constant 0 : i32
        %dma_start3A_291 = arith.constant 0 : i32
        %dma_start3A_292 = tpu.memref_slice %arg9[%dma_start3A_289, %dma_start3A_290, %dma_start3A_291] : memref<5x100x64xf32, #tpu.memory_space<vmem>> -> memref<1x100x64xf32, #tpu.memory_space<vmem>>
        %dma_start3A_293 = tpu.memref_squeeze %dma_start3A_292 : memref<1x100x64xf32, #tpu.memory_space<vmem>> -> memref<100x64xf32, #tpu.memory_space<vmem>>
        %dma_start3A_294 = arith.constant 0 : i32
        %dma_start3A_295 = tpu.memref_slice %arg7[%sub3A_288, %dma_start3A_294] : memref<200x100xi32, #tpu.memory_space<vmem>> -> memref<1x100xi32, #tpu.memory_space<vmem>>
        %dma_start3A_296 = tpu.memref_squeeze %dma_start3A_295 : memref<1x100xi32, #tpu.memory_space<vmem>> -> memref<100xi32, #tpu.memory_space<vmem>>
        %dma_start3A_297 = arith.constant 0 : i32
        %dma_start3A_298 = arith.constant 0 : i32
        %dma_start3A_299 = tpu.memref_slice %arg2[%dma_start3A_297, %dma_start3A_298] : memref<20000x64xf32, #tpu.memory_space<hbm>> -> memref<20000x64xf32, #tpu.memory_space<hbm>>
        tpu.enqueue_indirect_dma source(%dma_start3A_299 : memref<20000x64xf32, #tpu.memory_space<hbm>>) target(%dma_start3A_293 : memref<100x64xf32, #tpu.memory_space<vmem>>) offsets(%dma_start3A_296 : memref<100xi32, #tpu.memory_space<vmem>>) semaphore(%arg14 : memref<!tpu.dma_semaphore, #tpu.memory_space<semaphore_mem>>)
      } else {
      }
      %dma_wait3A_258 = arith.constant 4 : i32
      %dma_wait3A_259 = arith.constant 0 : i32
      %dma_wait3A_260 = arith.constant 0 : i32
      %dma_wait3A_261 = tpu.memref_slice %arg9[%dma_wait3A_258, %dma_wait3A_259, %dma_wait3A_260] : memref<5x100x64xf32, #tpu.memory_space<vmem>> -> memref<1x100x64xf32, #tpu.memory_space<vmem>>
      %dma_wait3A_262 = tpu.memref_squeeze %dma_wait3A_261 : memref<1x100x64xf32, #tpu.memory_space<vmem>> -> memref<100x64xf32, #tpu.memory_space<vmem>>
      %dma_wait3A_263 = arith.constant 0 : i32
      %dma_wait3A_264 = tpu.memref_slice %arg7[%add3A_248, %dma_wait3A_263] : memref<200x100xi32, #tpu.memory_space<vmem>> -> memref<1x100xi32, #tpu.memory_space<vmem>>
      %dma_wait3A_265 = tpu.memref_squeeze %dma_wait3A_264 : memref<1x100xi32, #tpu.memory_space<vmem>> -> memref<100xi32, #tpu.memory_space<vmem>>
      %dma_wait3A_266 = arith.constant 0 : i32
      %dma_wait3A_267 = arith.constant 0 : i32
      %dma_wait3A_268 = tpu.memref_slice %arg2[%dma_wait3A_266, %dma_wait3A_267] : memref<20000x64xf32, #tpu.memory_space<hbm>> -> memref<20000x64xf32, #tpu.memory_space<hbm>>
      tpu.wait_indirect_dma semaphore(%arg15 : memref<!tpu.dma_semaphore, #tpu.memory_space<semaphore_mem>>) src(%dma_wait3A_268 : memref<20000x64xf32, #tpu.memory_space<hbm>>) dst(%dma_wait3A_262 : memref<100x64xf32, #tpu.memory_space<vmem>>)
      %dma_start3A_269 = arith.constant 4 : i32
      %dma_start3A_270 = arith.constant 0 : i32
      %dma_start3A_271 = arith.constant 0 : i32
      %dma_start3A_272 = tpu.memref_slice %arg9[%dma_start3A_269, %dma_start3A_270, %dma_start3A_271] : memref<5x100x64xf32, #tpu.memory_space<vmem>> -> memref<1x100x64xf32, #tpu.memory_space<vmem>>
      %dma_start3A_273 = tpu.memref_squeeze %dma_start3A_272 : memref<1x100x64xf32, #tpu.memory_space<vmem>> -> memref<100x64xf32, #tpu.memory_space<vmem>>
      %dma_start3A_274 = arith.constant 0 : i32
      %dma_start3A_275 = tpu.memref_slice %arg8[%add3A_248, %dma_start3A_274] : memref<200x100xi32, #tpu.memory_space<vmem>> -> memref<1x100xi32, #tpu.memory_space<vmem>>
      %dma_start3A_276 = tpu.memref_squeeze %dma_start3A_275 : memref<1x100xi32, #tpu.memory_space<vmem>> -> memref<100xi32, #tpu.memory_space<vmem>>
      %dma_start3A_277 = arith.constant 0 : i32
      %dma_start3A_278 = arith.constant 0 : i32
      %dma_start3A_279 = tpu.memref_slice %arg10[%dma_start3A_277, %dma_start3A_278] : memref<10000x64xf32, #tpu.memory_space<vmem_shared>> -> memref<10000x64xf32, #tpu.memory_space<vmem_shared>>
      tpu.enqueue_indirect_dma source(%dma_start3A_273 : memref<100x64xf32, #tpu.memory_space<vmem>>) target(%dma_start3A_279 : memref<10000x64xf32, #tpu.memory_space<vmem_shared>>) offsets(%dma_start3A_276 : memref<100xi32, #tpu.memory_space<vmem>>) semaphore(%arg20 : memref<!tpu.dma_semaphore, #tpu.memory_space<semaphore_mem>>) {add = true}
      %scan3A_280 = arith.constant 0 : i32
      scf.yield %scan3A_280 : i32
    }
    %scan3A_53 = arith.constant 40 : i32
    %dma_wait3A = arith.constant 0 : i32
    %dma_wait3A_54 = arith.constant 0 : i32
    %dma_wait3A_55 = arith.constant 0 : i32
    %dma_wait3A_56 = arith.constant 0 : i32
    %dma_wait3A_57 = tpu.memref_slice %arg9[%dma_wait3A, %dma_wait3A_55, %dma_wait3A_56] : memref<5x100x64xf32, #tpu.memory_space<vmem>> -> memref<1x100x64xf32, #tpu.memory_space<vmem>>
    %dma_wait3A_58 = tpu.memref_squeeze %dma_wait3A_57 : memref<1x100x64xf32, #tpu.memory_space<vmem>> -> memref<100x64xf32, #tpu.memory_space<vmem>>
    %dma_wait3A_59 = arith.constant 0 : i32
    %dma_wait3A_60 = tpu.memref_slice %arg8[%dma_wait3A_54, %dma_wait3A_59] : memref<200x100xi32, #tpu.memory_space<vmem>> -> memref<1x100xi32, #tpu.memory_space<vmem>>
    %dma_wait3A_61 = tpu.memref_squeeze %dma_wait3A_60 : memref<1x100xi32, #tpu.memory_space<vmem>> -> memref<100xi32, #tpu.memory_space<vmem>>
    %dma_wait3A_62 = arith.constant 0 : i32
    %dma_wait3A_63 = arith.constant 0 : i32
    %dma_wait3A_64 = tpu.memref_slice %arg10[%dma_wait3A_62, %dma_wait3A_63] : memref<10000x64xf32, #tpu.memory_space<vmem_shared>> -> memref<10000x64xf32, #tpu.memory_space<vmem_shared>>
    tpu.wait_indirect_dma semaphore(%arg16 : memref<!tpu.dma_semaphore, #tpu.memory_space<semaphore_mem>>) src(%dma_wait3A_58 : memref<100x64xf32, #tpu.memory_space<vmem>>) dst(%dma_wait3A_64 : memref<10000x64xf32, #tpu.memory_space<vmem_shared>>)
    %dma_wait3A_65 = arith.constant 1 : i32
    %dma_wait3A_66 = arith.constant 0 : i32
    %dma_wait3A_67 = arith.constant 0 : i32
    %dma_wait3A_68 = arith.constant 0 : i32
    %dma_wait3A_69 = tpu.memref_slice %arg9[%dma_wait3A_65, %dma_wait3A_67, %dma_wait3A_68] : memref<5x100x64xf32, #tpu.memory_space<vmem>> -> memref<1x100x64xf32, #tpu.memory_space<vmem>>
    %dma_wait3A_70 = tpu.memref_squeeze %dma_wait3A_69 : memref<1x100x64xf32, #tpu.memory_space<vmem>> -> memref<100x64xf32, #tpu.memory_space<vmem>>
    %dma_wait3A_71 = arith.constant 0 : i32
    %dma_wait3A_72 = tpu.memref_slice %arg8[%dma_wait3A_66, %dma_wait3A_71] : memref<200x100xi32, #tpu.memory_space<vmem>> -> memref<1x100xi32, #tpu.memory_space<vmem>>
    %dma_wait3A_73 = tpu.memref_squeeze %dma_wait3A_72 : memref<1x100xi32, #tpu.memory_space<vmem>> -> memref<100xi32, #tpu.memory_space<vmem>>
    %dma_wait3A_74 = arith.constant 0 : i32
    %dma_wait3A_75 = arith.constant 0 : i32
    %dma_wait3A_76 = tpu.memref_slice %arg10[%dma_wait3A_74, %dma_wait3A_75] : memref<10000x64xf32, #tpu.memory_space<vmem_shared>> -> memref<10000x64xf32, #tpu.memory_space<vmem_shared>>
    tpu.wait_indirect_dma semaphore(%arg17 : memref<!tpu.dma_semaphore, #tpu.memory_space<semaphore_mem>>) src(%dma_wait3A_70 : memref<100x64xf32, #tpu.memory_space<vmem>>) dst(%dma_wait3A_76 : memref<10000x64xf32, #tpu.memory_space<vmem_shared>>)
    %dma_wait3A_77 = arith.constant 2 : i32
    %dma_wait3A_78 = arith.constant 0 : i32
    %dma_wait3A_79 = arith.constant 0 : i32
    %dma_wait3A_80 = arith.constant 0 : i32
    %dma_wait3A_81 = tpu.memref_slice %arg9[%dma_wait3A_77, %dma_wait3A_79, %dma_wait3A_80] : memref<5x100x64xf32, #tpu.memory_space<vmem>> -> memref<1x100x64xf32, #tpu.memory_space<vmem>>
    %dma_wait3A_82 = tpu.memref_squeeze %dma_wait3A_81 : memref<1x100x64xf32, #tpu.memory_space<vmem>> -> memref<100x64xf32, #tpu.memory_space<vmem>>
    %dma_wait3A_83 = arith.constant 0 : i32
    %dma_wait3A_84 = tpu.memref_slice %arg8[%dma_wait3A_78, %dma_wait3A_83] : memref<200x100xi32, #tpu.memory_space<vmem>> -> memref<1x100xi32, #tpu.memory_space<vmem>>
    %dma_wait3A_85 = tpu.memref_squeeze %dma_wait3A_84 : memref<1x100xi32, #tpu.memory_space<vmem>> -> memref<100xi32, #tpu.memory_space<vmem>>
    %dma_wait3A_86 = arith.constant 0 : i32
    %dma_wait3A_87 = arith.constant 0 : i32
    %dma_wait3A_88 = tpu.memref_slice %arg10[%dma_wait3A_86, %dma_wait3A_87] : memref<10000x64xf32, #tpu.memory_space<vmem_shared>> -> memref<10000x64xf32, #tpu.memory_space<vmem_shared>>
    tpu.wait_indirect_dma semaphore(%arg18 : memref<!tpu.dma_semaphore, #tpu.memory_space<semaphore_mem>>) src(%dma_wait3A_82 : memref<100x64xf32, #tpu.memory_space<vmem>>) dst(%dma_wait3A_88 : memref<10000x64xf32, #tpu.memory_space<vmem_shared>>)
    %dma_wait3A_89 = arith.constant 3 : i32
    %dma_wait3A_90 = arith.constant 0 : i32
    %dma_wait3A_91 = arith.constant 0 : i32
    %dma_wait3A_92 = arith.constant 0 : i32
    %dma_wait3A_93 = tpu.memref_slice %arg9[%dma_wait3A_89, %dma_wait3A_91, %dma_wait3A_92] : memref<5x100x64xf32, #tpu.memory_space<vmem>> -> memref<1x100x64xf32, #tpu.memory_space<vmem>>
    %dma_wait3A_94 = tpu.memref_squeeze %dma_wait3A_93 : memref<1x100x64xf32, #tpu.memory_space<vmem>> -> memref<100x64xf32, #tpu.memory_space<vmem>>
    %dma_wait3A_95 = arith.constant 0 : i32
    %dma_wait3A_96 = tpu.memref_slice %arg8[%dma_wait3A_90, %dma_wait3A_95] : memref<200x100xi32, #tpu.memory_space<vmem>> -> memref<1x100xi32, #tpu.memory_space<vmem>>
    %dma_wait3A_97 = tpu.memref_squeeze %dma_wait3A_96 : memref<1x100xi32, #tpu.memory_space<vmem>> -> memref<100xi32, #tpu.memory_space<vmem>>
    %dma_wait3A_98 = arith.constant 0 : i32
    %dma_wait3A_99 = arith.constant 0 : i32
    %dma_wait3A_100 = tpu.memref_slice %arg10[%dma_wait3A_98, %dma_wait3A_99] : memref<10000x64xf32, #tpu.memory_space<vmem_shared>> -> memref<10000x64xf32, #tpu.memory_space<vmem_shared>>
    tpu.wait_indirect_dma semaphore(%arg19 : memref<!tpu.dma_semaphore, #tpu.memory_space<semaphore_mem>>) src(%dma_wait3A_94 : memref<100x64xf32, #tpu.memory_space<vmem>>) dst(%dma_wait3A_100 : memref<10000x64xf32, #tpu.memory_space<vmem_shared>>)
    %dma_wait3A_101 = arith.constant 4 : i32
    %dma_wait3A_102 = arith.constant 0 : i32
    %dma_wait3A_103 = arith.constant 0 : i32
    %dma_wait3A_104 = arith.constant 0 : i32
    %dma_wait3A_105 = tpu.memref_slice %arg9[%dma_wait3A_101, %dma_wait3A_103, %dma_wait3A_104] : memref<5x100x64xf32, #tpu.memory_space<vmem>> -> memref<1x100x64xf32, #tpu.memory_space<vmem>>
    %dma_wait3A_106 = tpu.memref_squeeze %dma_wait3A_105 : memref<1x100x64xf32, #tpu.memory_space<vmem>> -> memref<100x64xf32, #tpu.memory_space<vmem>>
    %dma_wait3A_107 = arith.constant 0 : i32
    %dma_wait3A_108 = tpu.memref_slice %arg8[%dma_wait3A_102, %dma_wait3A_107] : memref<200x100xi32, #tpu.memory_space<vmem>> -> memref<1x100xi32, #tpu.memory_space<vmem>>
    %dma_wait3A_109 = tpu.memref_squeeze %dma_wait3A_108 : memref<1x100xi32, #tpu.memory_space<vmem>> -> memref<100xi32, #tpu.memory_space<vmem>>
    %dma_wait3A_110 = arith.constant 0 : i32
    %dma_wait3A_111 = arith.constant 0 : i32
    %dma_wait3A_112 = tpu.memref_slice %arg10[%dma_wait3A_110, %dma_wait3A_111] : memref<10000x64xf32, #tpu.memory_space<vmem_shared>> -> memref<10000x64xf32, #tpu.memory_space<vmem_shared>>
    tpu.wait_indirect_dma semaphore(%arg20 : memref<!tpu.dma_semaphore, #tpu.memory_space<semaphore_mem>>) src(%dma_wait3A_106 : memref<100x64xf32, #tpu.memory_space<vmem>>) dst(%dma_wait3A_112 : memref<10000x64xf32, #tpu.memory_space<vmem_shared>>)
    %barrier3A_113 = arith.constant 0 : index
    tpu.barrier barrier_id(%barrier3A_113)
    %mul3A_114 = arith.constant 625 : i32
    %mul3A_115 = arith.muli %arg1, %mul3A_114 : i32
    "tpu.region"() ({
      %run_scoped3A = tpu.sem_alloc : memref<!tpu.dma_semaphore, #tpu.memory_space<semaphore_mem>>
      %dma_start3A_116 = arith.constant 0 : i32
      %dma_start3A_117 = arith.constant 0 : i32
      %dma_start3A_118 = tpu.memref_slice %arg6[%arg0, %arg1, %dma_start3A_116, %dma_start3A_117] : memref<2x16x625x64xf32, #tpu.memory_space<hbm>> -> memref<1x1x625x64xf32, #tpu.memory_space<hbm>>
      %dma_start3A_119 = tpu.memref_squeeze %dma_start3A_118 : memref<1x1x625x64xf32, #tpu.memory_space<hbm>> -> memref<625x64xf32, #tpu.memory_space<hbm>>
      %dma_start3A_120 = arith.constant 0 : i32
      %dma_start3A_121 = tpu.memref_slice %arg10[%mul3A_115, %dma_start3A_120] : memref<10000x64xf32, #tpu.memory_space<vmem_shared>> -> memref<625x64xf32, #tpu.memory_space<vmem_shared>>
      tpu.enqueue_dma source(%dma_start3A_121 : memref<625x64xf32, #tpu.memory_space<vmem_shared>>) target(%dma_start3A_119 : memref<625x64xf32, #tpu.memory_space<hbm>>) target_semaphore(%run_scoped3A : memref<!tpu.dma_semaphore, #tpu.memory_space<semaphore_mem>>)
      %dma_wait3A_122 = arith.constant 0 : i32
      %dma_wait3A_123 = arith.constant 0 : i32
      %dma_wait3A_124 = tpu.memref_slice %arg6[%arg0, %arg1, %dma_wait3A_122, %dma_wait3A_123] : memref<2x16x625x64xf32, #tpu.memory_space<hbm>> -> memref<1x1x625x64xf32, #tpu.memory_space<hbm>>
      %dma_wait3A_125 = tpu.memref_squeeze %dma_wait3A_124 : memref<1x1x625x64xf32, #tpu.memory_space<hbm>> -> memref<625x64xf32, #tpu.memory_space<hbm>>
      %dma_wait3A_126 = arith.constant 0 : i32
      %dma_wait3A_127 = tpu.memref_slice %arg10[%mul3A_115, %dma_wait3A_126] : memref<10000x64xf32, #tpu.memory_space<vmem_shared>> -> memref<625x64xf32, #tpu.memory_space<vmem_shared>>
      tpu.wait_dma2 semaphore(%run_scoped3A : memref<!tpu.dma_semaphore, #tpu.memory_space<semaphore_mem>>) src(%dma_wait3A_127 : memref<625x64xf32, #tpu.memory_space<vmem_shared>>) dst(%dma_wait3A_125 : memref<625x64xf32, #tpu.memory_space<hbm>>)
      tpu.yield
    }) : () -> ()
    return
  }
}

#map = affine_map<(d0, d1) -> (0, 0)>
#map1 = affine_map<(d0, d1) -> (0, 0, 0, 0)>
#map2 = affine_map<(d0, d1) -> (0, 0, 0)>
module attributes {stable_mosaic.version = 14 : i64} {
  func.func @_sc_segment_sum(%arg0: i32, %arg1: i32, %arg2: memref<20000x64xf32, #tpu.memory_space<hbm>>, %arg3: memref<2x16x200x100xi32, #tpu.memory_space<hbm>>, %arg4: memref<16x200x100xi32, #tpu.memory_space<hbm>>, %arg5: memref<625x64xf32, #tpu.memory_space<hbm>>, %arg6: memref<2x16x625x64xf32, #tpu.memory_space<hbm>>, %arg7: memref<200x100xi32, #tpu.memory_space<vmem>>, %arg8: memref<200x100xi32, #tpu.memory_space<vmem>>, %arg9: memref<5x100x64xf32, #tpu.memory_space<vmem>>, %arg10: memref<10000x64xf32, #tpu.memory_space<vmem_shared>>, %arg11: memref<!tpu.dma_semaphore, #tpu.memory_space<semaphore_mem>>, %arg12: memref<!tpu.dma_semaphore, #tpu.memory_space<semaphore_mem>>, %arg13: memref<!tpu.dma_semaphore, #tpu.memory_space<semaphore_mem>>, %arg14: memref<!tpu.dma_semaphore, #tpu.memory_space<semaphore_mem>>, %arg15: memref<!tpu.dma_semaphore, #tpu.memory_space<semaphore_mem>>, %arg16: memref<!tpu.dma_semaphore, #tpu.memory_space<semaphore_mem>>, %arg17: memref<!tpu.dma_semaphore, #tpu.memory_space<semaphore_mem>>, %arg18: memref<!tpu.dma_semaphore, #tpu.memory_space<semaphore_mem>>, %arg19: memref<!tpu.dma_semaphore, #tpu.memory_space<semaphore_mem>>, %arg20: memref<!tpu.dma_semaphore, #tpu.memory_space<semaphore_mem>>) attributes {dimension_semantics = [#tpu.dimension_semantics<core_parallel>, #tpu.dimension_semantics<subcore_parallel>], iteration_bounds = array<i64: 2, 16>, scalar_prefetch = 0 : i64, scratch_operands = 14 : i64, tpu.core_type = #tpu.core_type<sc_vector_subcore>, window_params = [{transform_indices = #map}, {transform_indices = #map1}, {transform_indices = #map2}, {transform_indices = #map}, {transform_indices = #map1}]} {
    %mul3A = arith.constant 625 : i32
    %mul3A_0 = arith.muli %arg1, %mul3A : i32
    "tpu.region"() ({
      %run_scoped3A = tpu.sem_alloc : memref<!tpu.dma_semaphore, #tpu.memory_space<semaphore_mem>>
      %dma_start3A_116 = arith.constant 0 : i32
      %dma_start3A_117 = tpu.memref_slice %arg10[%mul3A_0, %dma_start3A_116] : memref<10000x64xf32, #tpu.memory_space<vmem_shared>> -> memref<625x64xf32, #tpu.memory_space<vmem_shared>>
      tpu.enqueue_dma source(%arg5 : memref<625x64xf32, #tpu.memory_space<hbm>>) target(%dma_start3A_117 : memref<625x64xf32, #tpu.memory_space<vmem_shared>>) target_semaphore(%run_scoped3A : memref<!tpu.dma_semaphore, #tpu.memory_space<semaphore_mem>>)
      %dma_wait3A_118 = arith.constant 0 : i32
      %dma_wait3A_119 = tpu.memref_slice %arg10[%mul3A_0, %dma_wait3A_118] : memref<10000x64xf32, #tpu.memory_space<vmem_shared>> -> memref<625x64xf32, #tpu.memory_space<vmem_shared>>
      tpu.wait_dma2 semaphore(%run_scoped3A : memref<!tpu.dma_semaphore, #tpu.memory_space<semaphore_mem>>) src(%arg5 : memref<625x64xf32, #tpu.memory_space<hbm>>) dst(%dma_wait3A_119 : memref<625x64xf32, #tpu.memory_space<vmem_shared>>)
      tpu.yield
    }) : () -> ()
    "tpu.region"() ({
      %run_scoped3A = tpu.sem_alloc : memref<!tpu.dma_semaphore, #tpu.memory_space<semaphore_mem>>
      %dma_start3A_116 = arith.constant 0 : i32
      %dma_start3A_117 = arith.constant 0 : i32
      %dma_start3A_118 = tpu.memref_slice %arg3[%arg0, %arg1, %dma_start3A_116, %dma_start3A_117] : memref<2x16x200x100xi32, #tpu.memory_space<hbm>> -> memref<1x1x200x100xi32, #tpu.memory_space<hbm>>
      %dma_start3A_119 = tpu.memref_squeeze %dma_start3A_118 : memref<1x1x200x100xi32, #tpu.memory_space<hbm>> -> memref<200x100xi32, #tpu.memory_space<hbm>>
      %dma_start3A_120 = arith.constant 0 : i32
      %dma_start3A_121 = arith.constant 0 : i32
      %dma_start3A_122 = tpu.memref_slice %arg3[%arg0, %arg1, %dma_start3A_120, %dma_start3A_121] : memref<2x16x200x100xi32, #tpu.memory_space<hbm>> -> memref<1x1x200x100xi32, #tpu.memory_space<hbm>>
      %dma_start3A_123 = tpu.memref_squeeze %dma_start3A_122 : memref<1x1x200x100xi32, #tpu.memory_space<hbm>> -> memref<200x100xi32, #tpu.memory_space<hbm>>
      tpu.enqueue_dma source(%dma_start3A_123 : memref<200x100xi32, #tpu.memory_space<hbm>>) target(%arg7 : memref<200x100xi32, #tpu.memory_space<vmem>>) target_semaphore(%run_scoped3A : memref<!tpu.dma_semaphore, #tpu.memory_space<semaphore_mem>>)
      %dma_wait3A_124 = arith.constant 0 : i32
      %dma_wait3A_125 = arith.constant 0 : i32
      %dma_wait3A_126 = tpu.memref_slice %arg3[%arg0, %arg1, %dma_wait3A_124, %dma_wait3A_125] : memref<2x16x200x100xi32, #tpu.memory_space<hbm>> -> memref<1x1x200x100xi32, #tpu.memory_space<hbm>>
      %dma_wait3A_127 = tpu.memref_squeeze %dma_wait3A_126 : memref<1x1x200x100xi32, #tpu.memory_space<hbm>> -> memref<200x100xi32, #tpu.memory_space<hbm>>
      %dma_wait3A_128 = arith.constant 0 : i32
      %dma_wait3A_129 = arith.constant 0 : i32
      %dma_wait3A_130 = tpu.memref_slice %arg3[%arg0, %arg1, %dma_wait3A_128, %dma_wait3A_129] : memref<2x16x200x100xi32, #tpu.memory_space<hbm>> -> memref<1x1x200x100xi32, #tpu.memory_space<hbm>>
      %dma_wait3A_131 = tpu.memref_squeeze %dma_wait3A_130 : memref<1x1x200x100xi32, #tpu.memory_space<hbm>> -> memref<200x100xi32, #tpu.memory_space<hbm>>
      tpu.wait_dma2 semaphore(%run_scoped3A : memref<!tpu.dma_semaphore, #tpu.memory_space<semaphore_mem>>) src(%dma_wait3A_131 : memref<200x100xi32, #tpu.memory_space<hbm>>) dst(%arg7 : memref<200x100xi32, #tpu.memory_space<vmem>>)
      tpu.yield
    }) : () -> ()
    "tpu.region"() ({
      %run_scoped3A = tpu.sem_alloc : memref<!tpu.dma_semaphore, #tpu.memory_space<semaphore_mem>>
      %dma_start3A_116 = arith.constant 0 : i32
      %dma_start3A_117 = arith.constant 0 : i32
      %dma_start3A_118 = tpu.memref_slice %arg4[%arg1, %dma_start3A_116, %dma_start3A_117] : memref<16x200x100xi32, #tpu.memory_space<hbm>> -> memref<1x200x100xi32, #tpu.memory_space<hbm>>
      %dma_start3A_119 = tpu.memref_squeeze %dma_start3A_118 : memref<1x200x100xi32, #tpu.memory_space<hbm>> -> memref<200x100xi32, #tpu.memory_space<hbm>>
      %dma_start3A_120 = arith.constant 0 : i32
      %dma_start3A_121 = arith.constant 0 : i32
      %dma_start3A_122 = tpu.memref_slice %arg4[%arg1, %dma_start3A_120, %dma_start3A_121] : memref<16x200x100xi32, #tpu.memory_space<hbm>> -> memref<1x200x100xi32, #tpu.memory_space<hbm>>
      %dma_start3A_123 = tpu.memref_squeeze %dma_start3A_122 : memref<1x200x100xi32, #tpu.memory_space<hbm>> -> memref<200x100xi32, #tpu.memory_space<hbm>>
      tpu.enqueue_dma source(%dma_start3A_123 : memref<200x100xi32, #tpu.memory_space<hbm>>) target(%arg8 : memref<200x100xi32, #tpu.memory_space<vmem>>) target_semaphore(%run_scoped3A : memref<!tpu.dma_semaphore, #tpu.memory_space<semaphore_mem>>)
      %dma_wait3A_124 = arith.constant 0 : i32
      %dma_wait3A_125 = arith.constant 0 : i32
      %dma_wait3A_126 = tpu.memref_slice %arg4[%arg1, %dma_wait3A_124, %dma_wait3A_125] : memref<16x200x100xi32, #tpu.memory_space<hbm>> -> memref<1x200x100xi32, #tpu.memory_space<hbm>>
      %dma_wait3A_127 = tpu.memref_squeeze %dma_wait3A_126 : memref<1x200x100xi32, #tpu.memory_space<hbm>> -> memref<200x100xi32, #tpu.memory_space<hbm>>
      %dma_wait3A_128 = arith.constant 0 : i32
      %dma_wait3A_129 = arith.constant 0 : i32
      %dma_wait3A_130 = tpu.memref_slice %arg4[%arg1, %dma_wait3A_128, %dma_wait3A_129] : memref<16x200x100xi32, #tpu.memory_space<hbm>> -> memref<1x200x100xi32, #tpu.memory_space<hbm>>
      %dma_wait3A_131 = tpu.memref_squeeze %dma_wait3A_130 : memref<1x200x100xi32, #tpu.memory_space<hbm>> -> memref<200x100xi32, #tpu.memory_space<hbm>>
      tpu.wait_dma2 semaphore(%run_scoped3A : memref<!tpu.dma_semaphore, #tpu.memory_space<semaphore_mem>>) src(%dma_wait3A_131 : memref<200x100xi32, #tpu.memory_space<hbm>>) dst(%arg8 : memref<200x100xi32, #tpu.memory_space<vmem>>)
      tpu.yield
    }) : () -> ()
    %barrier3A = arith.constant 0 : index
    tpu.barrier barrier_id(%barrier3A)
    %dma_start3A = arith.constant 0 : i32
    %dma_start3A_1 = arith.constant 0 : i32
    %dma_start3A_2 = arith.constant 0 : i32
    %dma_start3A_3 = arith.constant 0 : i32
    %dma_start3A_4 = tpu.memref_slice %arg9[%dma_start3A_1, %dma_start3A_2, %dma_start3A_3] : memref<5x100x64xf32, #tpu.memory_space<vmem>> -> memref<1x100x64xf32, #tpu.memory_space<vmem>>
    %dma_start3A_5 = tpu.memref_squeeze %dma_start3A_4 : memref<1x100x64xf32, #tpu.memory_space<vmem>> -> memref<100x64xf32, #tpu.memory_space<vmem>>
    %dma_start3A_6 = arith.constant 0 : i32
    %dma_start3A_7 = tpu.memref_slice %arg7[%dma_start3A, %dma_start3A_6] : memref<200x100xi32, #tpu.memory_space<vmem>> -> memref<1x100xi32, #tpu.memory_space<vmem>>
    %dma_start3A_8 = tpu.memref_squeeze %dma_start3A_7 : memref<1x100xi32, #tpu.memory_space<vmem>> -> memref<100xi32, #tpu.memory_space<vmem>>
    %dma_start3A_9 = arith.constant 0 : i32
    %dma_start3A_10 = arith.constant 0 : i32
    %dma_start3A_11 = tpu.memref_slice %arg2[%dma_start3A_9, %dma_start3A_10] : memref<20000x64xf32, #tpu.memory_space<hbm>> -> memref<20000x64xf32, #tpu.memory_space<hbm>>
    tpu.enqueue_indirect_dma source(%dma_start3A_11 : memref<20000x64xf32, #tpu.memory_space<hbm>>) target(%dma_start3A_5 : memref<100x64xf32, #tpu.memory_space<vmem>>) offsets(%dma_start3A_8 : memref<100xi32, #tpu.memory_space<vmem>>) semaphore(%arg11 : memref<!tpu.dma_semaphore, #tpu.memory_space<semaphore_mem>>)
    %dma_start3A_12 = arith.constant 1 : i32
    %dma_start3A_13 = arith.constant 1 : i32
    %dma_start3A_14 = arith.constant 0 : i32
    %dma_start3A_15 = arith.constant 0 : i32
    %dma_start3A_16 = tpu.memref_slice %arg9[%dma_start3A_13, %dma_start3A_14, %dma_start3A_15] : memref<5x100x64xf32, #tpu.memory_space<vmem>> -> memref<1x100x64xf32, #tpu.memory_space<vmem>>
    %dma_start3A_17 = tpu.memref_squeeze %dma_start3A_16 : memref<1x100x64xf32, #tpu.memory_space<vmem>> -> memref<100x64xf32, #tpu.memory_space<vmem>>
    %dma_start3A_18 = arith.constant 0 : i32
    %dma_start3A_19 = tpu.memref_slice %arg7[%dma_start3A_12, %dma_start3A_18] : memref<200x100xi32, #tpu.memory_space<vmem>> -> memref<1x100xi32, #tpu.memory_space<vmem>>
    %dma_start3A_20 = tpu.memref_squeeze %dma_start3A_19 : memref<1x100xi32, #tpu.memory_space<vmem>> -> memref<100xi32, #tpu.memory_space<vmem>>
    %dma_start3A_21 = arith.constant 0 : i32
    %dma_start3A_22 = arith.constant 0 : i32
    %dma_start3A_23 = tpu.memref_slice %arg2[%dma_start3A_21, %dma_start3A_22] : memref<20000x64xf32, #tpu.memory_space<hbm>> -> memref<20000x64xf32, #tpu.memory_space<hbm>>
    tpu.enqueue_indirect_dma source(%dma_start3A_23 : memref<20000x64xf32, #tpu.memory_space<hbm>>) target(%dma_start3A_17 : memref<100x64xf32, #tpu.memory_space<vmem>>) offsets(%dma_start3A_20 : memref<100xi32, #tpu.memory_space<vmem>>) semaphore(%arg12 : memref<!tpu.dma_semaphore, #tpu.memory_space<semaphore_mem>>)
    %dma_start3A_24 = arith.constant 2 : i32
    %dma_start3A_25 = arith.constant 2 : i32
    %dma_start3A_26 = arith.constant 0 : i32
    %dma_start3A_27 = arith.constant 0 : i32
    %dma_start3A_28 = tpu.memref_slice %arg9[%dma_start3A_25, %dma_start3A_26, %dma_start3A_27] : memref<5x100x64xf32, #tpu.memory_space<vmem>> -> memref<1x100x64xf32, #tpu.memory_space<vmem>>
    %dma_start3A_29 = tpu.memref_squeeze %dma_start3A_28 : memref<1x100x64xf32, #tpu.memory_space<vmem>> -> memref<100x64xf32, #tpu.memory_space<vmem>>
    %dma_start3A_30 = arith.constant 0 : i32
    %dma_start3A_31 = tpu.memref_slice %arg7[%dma_start3A_24, %dma_start3A_30] : memref<200x100xi32, #tpu.memory_space<vmem>> -> memref<1x100xi32, #tpu.memory_space<vmem>>
    %dma_start3A_32 = tpu.memref_squeeze %dma_start3A_31 : memref<1x100xi32, #tpu.memory_space<vmem>> -> memref<100xi32, #tpu.memory_space<vmem>>
    %dma_start3A_33 = arith.constant 0 : i32
    %dma_start3A_34 = arith.constant 0 : i32
    %dma_start3A_35 = tpu.memref_slice %arg2[%dma_start3A_33, %dma_start3A_34] : memref<20000x64xf32, #tpu.memory_space<hbm>> -> memref<20000x64xf32, #tpu.memory_space<hbm>>
    tpu.enqueue_indirect_dma source(%dma_start3A_35 : memref<20000x64xf32, #tpu.memory_space<hbm>>) target(%dma_start3A_29 : memref<100x64xf32, #tpu.memory_space<vmem>>) offsets(%dma_start3A_32 : memref<100xi32, #tpu.memory_space<vmem>>) semaphore(%arg13 : memref<!tpu.dma_semaphore, #tpu.memory_space<semaphore_mem>>)
    %dma_start3A_36 = arith.constant 3 : i32
    %dma_start3A_37 = arith.constant 3 : i32
    %dma_start3A_38 = arith.constant 0 : i32
    %dma_start3A_39 = arith.constant 0 : i32
    %dma_start3A_40 = tpu.memref_slice %arg9[%dma_start3A_37, %dma_start3A_38, %dma_start3A_39] : memref<5x100x64xf32, #tpu.memory_space<vmem>> -> memref<1x100x64xf32, #tpu.memory_space<vmem>>
    %dma_start3A_41 = tpu.memref_squeeze %dma_start3A_40 : memref<1x100x64xf32, #tpu.memory_space<vmem>> -> memref<100x64xf32, #tpu.memory_space<vmem>>
    %dma_start3A_42 = arith.constant 0 : i32
    %dma_start3A_43 = tpu.memref_slice %arg7[%dma_start3A_36, %dma_start3A_42] : memref<200x100xi32, #tpu.memory_space<vmem>> -> memref<1x100xi32, #tpu.memory_space<vmem>>
    %dma_start3A_44 = tpu.memref_squeeze %dma_start3A_43 : memref<1x100xi32, #tpu.memory_space<vmem>> -> memref<100xi32, #tpu.memory_space<vmem>>
    %dma_start3A_45 = arith.constant 0 : i32
    %dma_start3A_46 = arith.constant 0 : i32
    %dma_start3A_47 = tpu.memref_slice %arg2[%dma_start3A_45, %dma_start3A_46] : memref<20000x64xf32, #tpu.memory_space<hbm>> -> memref<20000x64xf32, #tpu.memory_space<hbm>>
    tpu.enqueue_indirect_dma source(%dma_start3A_47 : memref<20000x64xf32, #tpu.memory_space<hbm>>) target(%dma_start3A_41 : memref<100x64xf32, #tpu.memory_space<vmem>>) offsets(%dma_start3A_44 : memref<100xi32, #tpu.memory_space<vmem>>) semaphore(%arg14 : memref<!tpu.dma_semaphore, #tpu.memory_space<semaphore_mem>>)
    %scan3A = arith.constant 0 : i32
    %scan3A_48 = arith.constant 0 : i32
    %scan3A_49 = arith.constant 40 : i32
    %scan3A_50 = arith.addi %scan3A_48, %scan3A_49 : i32
    %scan3A_51 = arith.constant 1 : i32
    %scan3A_52 = scf.for %scan3A_116 = %scan3A_48 to %scan3A_50 step %scan3A_51 iter_args(%scan3A_117 = %scan3A) -> (i32)  : i32 {
      %mul3A_118 = arith.constant 5 : i32
      %mul3A_119 = arith.muli %mul3A_118, %scan3A_116 : i32
      %add3A = arith.constant 0 : i32
      %add3A_120 = arith.addi %mul3A_119, %add3A : i32
      %add3A_121 = arith.constant 5 : i32
      %add3A_122 = arith.addi %add3A_120, %add3A_121 : i32
      %sub3A = arith.constant 1 : i32
      %sub3A_123 = arith.subi %add3A_122, %sub3A : i32
      %lt3A = arith.constant 200 : i32
      %lt3A_124 = arith.cmpi slt, %sub3A_123, %lt3A : i32
      %convert_element_type3A = arith.extui %lt3A_124 : i1 to i32
      %cond3A = arith.constant 0 : i32
      %cond3A_125 = arith.cmpi ne, %convert_element_type3A, %cond3A : i32
      scf.if %cond3A_125 {
        %ge3A = arith.constant 1 : i32
        %ge3A_281 = arith.cmpi sge, %add3A_120, %ge3A : i32
        %convert_element_type3A_282 = arith.extui %ge3A_281 : i1 to i32
        %cond3A_283 = arith.constant 0 : i32
        %cond3A_284 = arith.cmpi ne, %convert_element_type3A_282, %cond3A_283 : i32
        scf.if %cond3A_284 {
          %dma_wait3A_300 = arith.constant 4 : i32
          %dma_wait3A_301 = arith.constant 0 : i32
          %dma_wait3A_302 = arith.constant 0 : i32
          %dma_wait3A_303 = arith.constant 0 : i32
          %dma_wait3A_304 = tpu.memref_slice %arg9[%dma_wait3A_300, %dma_wait3A_302, %dma_wait3A_303] : memref<5x100x64xf32, #tpu.memory_space<vmem>> -> memref<1x100x64xf32, #tpu.memory_space<vmem>>
          %dma_wait3A_305 = tpu.memref_squeeze %dma_wait3A_304 : memref<1x100x64xf32, #tpu.memory_space<vmem>> -> memref<100x64xf32, #tpu.memory_space<vmem>>
          %dma_wait3A_306 = arith.constant 0 : i32
          %dma_wait3A_307 = tpu.memref_slice %arg8[%dma_wait3A_301, %dma_wait3A_306] : memref<200x100xi32, #tpu.memory_space<vmem>> -> memref<1x100xi32, #tpu.memory_space<vmem>>
          %dma_wait3A_308 = tpu.memref_squeeze %dma_wait3A_307 : memref<1x100xi32, #tpu.memory_space<vmem>> -> memref<100xi32, #tpu.memory_space<vmem>>
          %dma_wait3A_309 = arith.constant 0 : i32
          %dma_wait3A_310 = arith.constant 0 : i32
          %dma_wait3A_311 = tpu.memref_slice %arg10[%dma_wait3A_309, %dma_wait3A_310] : memref<10000x64xf32, #tpu.memory_space<vmem_shared>> -> memref<10000x64xf32, #tpu.memory_space<vmem_shared>>
          tpu.wait_indirect_dma semaphore(%arg20 : memref<!tpu.dma_semaphore, #tpu.memory_space<semaphore_mem>>) src(%dma_wait3A_305 : memref<100x64xf32, #tpu.memory_space<vmem>>) dst(%dma_wait3A_311 : memref<10000x64xf32, #tpu.memory_space<vmem_shared>>)
        } else {
        }
        %add3A_285 = arith.constant 5 : i32
        %add3A_286 = arith.addi %add3A_120, %add3A_285 : i32
        %sub3A_287 = arith.constant 1 : i32
        %sub3A_288 = arith.subi %add3A_286, %sub3A_287 : i32
        %dma_start3A_289 = arith.constant 4 : i32
        %dma_start3A_290 = arith.constant 0 : i32
        %dma_start3A_291 = arith.constant 0 : i32
        %dma_start3A_292 = tpu.memref_slice %arg9[%dma_start3A_289, %dma_start3A_290, %dma_start3A_291] : memref<5x100x64xf32, #tpu.memory_space<vmem>> -> memref<1x100x64xf32, #tpu.memory_space<vmem>>
        %dma_start3A_293 = tpu.memref_squeeze %dma_start3A_292 : memref<1x100x64xf32, #tpu.memory_space<vmem>> -> memref<100x64xf32, #tpu.memory_space<vmem>>
        %dma_start3A_294 = arith.constant 0 : i32
        %dma_start3A_295 = tpu.memref_slice %arg7[%sub3A_288, %dma_start3A_294] : memref<200x100xi32, #tpu.memory_space<vmem>> -> memref<1x100xi32, #tpu.memory_space<vmem>>
        %dma_start3A_296 = tpu.memref_squeeze %dma_start3A_295 : memref<1x100xi32, #tpu.memory_space<vmem>> -> memref<100xi32, #tpu.memory_space<vmem>>
        %dma_start3A_297 = arith.constant 0 : i32
        %dma_start3A_298 = arith.constant 0 : i32
        %dma_start3A_299 = tpu.memref_slice %arg2[%dma_start3A_297, %dma_start3A_298] : memref<20000x64xf32, #tpu.memory_space<hbm>> -> memref<20000x64xf32, #tpu.memory_space<hbm>>
        tpu.enqueue_indirect_dma source(%dma_start3A_299 : memref<20000x64xf32, #tpu.memory_space<hbm>>) target(%dma_start3A_293 : memref<100x64xf32, #tpu.memory_space<vmem>>) offsets(%dma_start3A_296 : memref<100xi32, #tpu.memory_space<vmem>>) semaphore(%arg15 : memref<!tpu.dma_semaphore, #tpu.memory_space<semaphore_mem>>)
      } else {
      }
      %dma_wait3A_126 = arith.constant 0 : i32
      %dma_wait3A_127 = arith.constant 0 : i32
      %dma_wait3A_128 = arith.constant 0 : i32
      %dma_wait3A_129 = tpu.memref_slice %arg9[%dma_wait3A_126, %dma_wait3A_127, %dma_wait3A_128] : memref<5x100x64xf32, #tpu.memory_space<vmem>> -> memref<1x100x64xf32, #tpu.memory_space<vmem>>
      %dma_wait3A_130 = tpu.memref_squeeze %dma_wait3A_129 : memref<1x100x64xf32, #tpu.memory_space<vmem>> -> memref<100x64xf32, #tpu.memory_space<vmem>>
      %dma_wait3A_131 = arith.constant 0 : i32
      %dma_wait3A_132 = tpu.memref_slice %arg7[%add3A_120, %dma_wait3A_131] : memref<200x100xi32, #tpu.memory_space<vmem>> -> memref<1x100xi32, #tpu.memory_space<vmem>>
      %dma_wait3A_133 = tpu.memref_squeeze %dma_wait3A_132 : memref<1x100xi32, #tpu.memory_space<vmem>> -> memref<100xi32, #tpu.memory_space<vmem>>
      %dma_wait3A_134 = arith.constant 0 : i32
      %dma_wait3A_135 = arith.constant 0 : i32
      %dma_wait3A_136 = tpu.memref_slice %arg2[%dma_wait3A_134, %dma_wait3A_135] : memref<20000x64xf32, #tpu.memory_space<hbm>> -> memref<20000x64xf32, #tpu.memory_space<hbm>>
      tpu.wait_indirect_dma semaphore(%arg11 : memref<!tpu.dma_semaphore, #tpu.memory_space<semaphore_mem>>) src(%dma_wait3A_136 : memref<20000x64xf32, #tpu.memory_space<hbm>>) dst(%dma_wait3A_130 : memref<100x64xf32, #tpu.memory_space<vmem>>)
      %dma_start3A_137 = arith.constant 0 : i32
      %dma_start3A_138 = arith.constant 0 : i32
      %dma_start3A_139 = arith.constant 0 : i32
      %dma_start3A_140 = tpu.memref_slice %arg9[%dma_start3A_137, %dma_start3A_138, %dma_start3A_139] : memref<5x100x64xf32, #tpu.memory_space<vmem>> -> memref<1x100x64xf32, #tpu.memory_space<vmem>>
      %dma_start3A_141 = tpu.memref_squeeze %dma_start3A_140 : memref<1x100x64xf32, #tpu.memory_space<vmem>> -> memref<100x64xf32, #tpu.memory_space<vmem>>
      %dma_start3A_142 = arith.constant 0 : i32
      %dma_start3A_143 = tpu.memref_slice %arg8[%add3A_120, %dma_start3A_142] : memref<200x100xi32, #tpu.memory_space<vmem>> -> memref<1x100xi32, #tpu.memory_space<vmem>>
      %dma_start3A_144 = tpu.memref_squeeze %dma_start3A_143 : memref<1x100xi32, #tpu.memory_space<vmem>> -> memref<100xi32, #tpu.memory_space<vmem>>
      %dma_start3A_145 = arith.constant 0 : i32
      %dma_start3A_146 = arith.constant 0 : i32
      %dma_start3A_147 = tpu.memref_slice %arg10[%dma_start3A_145, %dma_start3A_146] : memref<10000x64xf32, #tpu.memory_space<vmem_shared>> -> memref<10000x64xf32, #tpu.memory_space<vmem_shared>>
      tpu.enqueue_indirect_dma source(%dma_start3A_141 : memref<100x64xf32, #tpu.memory_space<vmem>>) target(%dma_start3A_147 : memref<10000x64xf32, #tpu.memory_space<vmem_shared>>) offsets(%dma_start3A_144 : memref<100xi32, #tpu.memory_space<vmem>>) semaphore(%arg16 : memref<!tpu.dma_semaphore, #tpu.memory_space<semaphore_mem>>) {add = true}
      %add3A_148 = arith.constant 1 : i32
      %add3A_149 = arith.addi %mul3A_119, %add3A_148 : i32
      %add3A_150 = arith.constant 5 : i32
      %add3A_151 = arith.addi %add3A_149, %add3A_150 : i32
      %sub3A_152 = arith.constant 1 : i32
      %sub3A_153 = arith.subi %add3A_151, %sub3A_152 : i32
      %lt3A_154 = arith.constant 200 : i32
      %lt3A_155 = arith.cmpi slt, %sub3A_153, %lt3A_154 : i32
      %convert_element_type3A_156 = arith.extui %lt3A_155 : i1 to i32
      %cond3A_157 = arith.constant 0 : i32
      %cond3A_158 = arith.cmpi ne, %convert_element_type3A_156, %cond3A_157 : i32
      scf.if %cond3A_158 {
        %ge3A = arith.constant 1 : i32
        %ge3A_281 = arith.cmpi sge, %add3A_149, %ge3A : i32
        %convert_element_type3A_282 = arith.extui %ge3A_281 : i1 to i32
        %cond3A_283 = arith.constant 0 : i32
        %cond3A_284 = arith.cmpi ne, %convert_element_type3A_282, %cond3A_283 : i32
        scf.if %cond3A_284 {
          %dma_wait3A_300 = arith.constant 0 : i32
          %dma_wait3A_301 = arith.constant 0 : i32
          %dma_wait3A_302 = arith.constant 0 : i32
          %dma_wait3A_303 = arith.constant 0 : i32
          %dma_wait3A_304 = tpu.memref_slice %arg9[%dma_wait3A_300, %dma_wait3A_302, %dma_wait3A_303] : memref<5x100x64xf32, #tpu.memory_space<vmem>> -> memref<1x100x64xf32, #tpu.memory_space<vmem>>
          %dma_wait3A_305 = tpu.memref_squeeze %dma_wait3A_304 : memref<1x100x64xf32, #tpu.memory_space<vmem>> -> memref<100x64xf32, #tpu.memory_space<vmem>>
          %dma_wait3A_306 = arith.constant 0 : i32
          %dma_wait3A_307 = tpu.memref_slice %arg8[%dma_wait3A_301, %dma_wait3A_306] : memref<200x100xi32, #tpu.memory_space<vmem>> -> memref<1x100xi32, #tpu.memory_space<vmem>>
          %dma_wait3A_308 = tpu.memref_squeeze %dma_wait3A_307 : memref<1x100xi32, #tpu.memory_space<vmem>> -> memref<100xi32, #tpu.memory_space<vmem>>
          %dma_wait3A_309 = arith.constant 0 : i32
          %dma_wait3A_310 = arith.constant 0 : i32
          %dma_wait3A_311 = tpu.memref_slice %arg10[%dma_wait3A_309, %dma_wait3A_310] : memref<10000x64xf32, #tpu.memory_space<vmem_shared>> -> memref<10000x64xf32, #tpu.memory_space<vmem_shared>>
          tpu.wait_indirect_dma semaphore(%arg16 : memref<!tpu.dma_semaphore, #tpu.memory_space<semaphore_mem>>) src(%dma_wait3A_305 : memref<100x64xf32, #tpu.memory_space<vmem>>) dst(%dma_wait3A_311 : memref<10000x64xf32, #tpu.memory_space<vmem_shared>>)
        } else {
        }
        %add3A_285 = arith.constant 5 : i32
        %add3A_286 = arith.addi %add3A_149, %add3A_285 : i32
        %sub3A_287 = arith.constant 1 : i32
        %sub3A_288 = arith.subi %add3A_286, %sub3A_287 : i32
        %dma_start3A_289 = arith.constant 0 : i32
        %dma_start3A_290 = arith.constant 0 : i32
        %dma_start3A_291 = arith.constant 0 : i32
        %dma_start3A_292 = tpu.memref_slice %arg9[%dma_start3A_289, %dma_start3A_290, %dma_start3A_291] : memref<5x100x64xf32, #tpu.memory_space<vmem>> -> memref<1x100x64xf32, #tpu.memory_space<vmem>>
        %dma_start3A_293 = tpu.memref_squeeze %dma_start3A_292 : memref<1x100x64xf32, #tpu.memory_space<vmem>> -> memref<100x64xf32, #tpu.memory_space<vmem>>
        %dma_start3A_294 = arith.constant 0 : i32
        %dma_start3A_295 = tpu.memref_slice %arg7[%sub3A_288, %dma_start3A_294] : memref<200x100xi32, #tpu.memory_space<vmem>> -> memref<1x100xi32, #tpu.memory_space<vmem>>
        %dma_start3A_296 = tpu.memref_squeeze %dma_start3A_295 : memref<1x100xi32, #tpu.memory_space<vmem>> -> memref<100xi32, #tpu.memory_space<vmem>>
        %dma_start3A_297 = arith.constant 0 : i32
        %dma_start3A_298 = arith.constant 0 : i32
        %dma_start3A_299 = tpu.memref_slice %arg2[%dma_start3A_297, %dma_start3A_298] : memref<20000x64xf32, #tpu.memory_space<hbm>> -> memref<20000x64xf32, #tpu.memory_space<hbm>>
        tpu.enqueue_indirect_dma source(%dma_start3A_299 : memref<20000x64xf32, #tpu.memory_space<hbm>>) target(%dma_start3A_293 : memref<100x64xf32, #tpu.memory_space<vmem>>) offsets(%dma_start3A_296 : memref<100xi32, #tpu.memory_space<vmem>>) semaphore(%arg11 : memref<!tpu.dma_semaphore, #tpu.memory_space<semaphore_mem>>)
      } else {
      }
      %dma_wait3A_159 = arith.constant 1 : i32
      %dma_wait3A_160 = arith.constant 0 : i32
      %dma_wait3A_161 = arith.constant 0 : i32
      %dma_wait3A_162 = tpu.memref_slice %arg9[%dma_wait3A_159, %dma_wait3A_160, %dma_wait3A_161] : memref<5x100x64xf32, #tpu.memory_space<vmem>> -> memref<1x100x64xf32, #tpu.memory_space<vmem>>
      %dma_wait3A_163 = tpu.memref_squeeze %dma_wait3A_162 : memref<1x100x64xf32, #tpu.memory_space<vmem>> -> memref<100x64xf32, #tpu.memory_space<vmem>>
      %dma_wait3A_164 = arith.constant 0 : i32
      %dma_wait3A_165 = tpu.memref_slice %arg7[%add3A_149, %dma_wait3A_164] : memref<200x100xi32, #tpu.memory_space<vmem>> -> memref<1x100xi32, #tpu.memory_space<vmem>>
      %dma_wait3A_166 = tpu.memref_squeeze %dma_wait3A_165 : memref<1x100xi32, #tpu.memory_space<vmem>> -> memref<100xi32, #tpu.memory_space<vmem>>
      %dma_wait3A_167 = arith.constant 0 : i32
      %dma_wait3A_168 = arith.constant 0 : i32
      %dma_wait3A_169 = tpu.memref_slice %arg2[%dma_wait3A_167, %dma_wait3A_168] : memref<20000x64xf32, #tpu.memory_space<hbm>> -> memref<20000x64xf32, #tpu.memory_space<hbm>>
      tpu.wait_indirect_dma semaphore(%arg12 : memref<!tpu.dma_semaphore, #tpu.memory_space<semaphore_mem>>) src(%dma_wait3A_169 : memref<20000x64xf32, #tpu.memory_space<hbm>>) dst(%dma_wait3A_163 : memref<100x64xf32, #tpu.memory_space<vmem>>)
      %dma_start3A_170 = arith.constant 1 : i32
      %dma_start3A_171 = arith.constant 0 : i32
      %dma_start3A_172 = arith.constant 0 : i32
      %dma_start3A_173 = tpu.memref_slice %arg9[%dma_start3A_170, %dma_start3A_171, %dma_start3A_172] : memref<5x100x64xf32, #tpu.memory_space<vmem>> -> memref<1x100x64xf32, #tpu.memory_space<vmem>>
      %dma_start3A_174 = tpu.memref_squeeze %dma_start3A_173 : memref<1x100x64xf32, #tpu.memory_space<vmem>> -> memref<100x64xf32, #tpu.memory_space<vmem>>
      %dma_start3A_175 = arith.constant 0 : i32
      %dma_start3A_176 = tpu.memref_slice %arg8[%add3A_149, %dma_start3A_175] : memref<200x100xi32, #tpu.memory_space<vmem>> -> memref<1x100xi32, #tpu.memory_space<vmem>>
      %dma_start3A_177 = tpu.memref_squeeze %dma_start3A_176 : memref<1x100xi32, #tpu.memory_space<vmem>> -> memref<100xi32, #tpu.memory_space<vmem>>
      %dma_start3A_178 = arith.constant 0 : i32
      %dma_start3A_179 = arith.constant 0 : i32
      %dma_start3A_180 = tpu.memref_slice %arg10[%dma_start3A_178, %dma_start3A_179] : memref<10000x64xf32, #tpu.memory_space<vmem_shared>> -> memref<10000x64xf32, #tpu.memory_space<vmem_shared>>
      tpu.enqueue_indirect_dma source(%dma_start3A_174 : memref<100x64xf32, #tpu.memory_space<vmem>>) target(%dma_start3A_180 : memref<10000x64xf32, #tpu.memory_space<vmem_shared>>) offsets(%dma_start3A_177 : memref<100xi32, #tpu.memory_space<vmem>>) semaphore(%arg17 : memref<!tpu.dma_semaphore, #tpu.memory_space<semaphore_mem>>) {add = true}
      %add3A_181 = arith.constant 2 : i32
      %add3A_182 = arith.addi %mul3A_119, %add3A_181 : i32
      %add3A_183 = arith.constant 5 : i32
      %add3A_184 = arith.addi %add3A_182, %add3A_183 : i32
      %sub3A_185 = arith.constant 1 : i32
      %sub3A_186 = arith.subi %add3A_184, %sub3A_185 : i32
      %lt3A_187 = arith.constant 200 : i32
      %lt3A_188 = arith.cmpi slt, %sub3A_186, %lt3A_187 : i32
      %convert_element_type3A_189 = arith.extui %lt3A_188 : i1 to i32
      %cond3A_190 = arith.constant 0 : i32
      %cond3A_191 = arith.cmpi ne, %convert_element_type3A_189, %cond3A_190 : i32
      scf.if %cond3A_191 {
        %ge3A = arith.constant 1 : i32
        %ge3A_281 = arith.cmpi sge, %add3A_182, %ge3A : i32
        %convert_element_type3A_282 = arith.extui %ge3A_281 : i1 to i32
        %cond3A_283 = arith.constant 0 : i32
        %cond3A_284 = arith.cmpi ne, %convert_element_type3A_282, %cond3A_283 : i32
        scf.if %cond3A_284 {
          %dma_wait3A_300 = arith.constant 1 : i32
          %dma_wait3A_301 = arith.constant 0 : i32
          %dma_wait3A_302 = arith.constant 0 : i32
          %dma_wait3A_303 = arith.constant 0 : i32
          %dma_wait3A_304 = tpu.memref_slice %arg9[%dma_wait3A_300, %dma_wait3A_302, %dma_wait3A_303] : memref<5x100x64xf32, #tpu.memory_space<vmem>> -> memref<1x100x64xf32, #tpu.memory_space<vmem>>
          %dma_wait3A_305 = tpu.memref_squeeze %dma_wait3A_304 : memref<1x100x64xf32, #tpu.memory_space<vmem>> -> memref<100x64xf32, #tpu.memory_space<vmem>>
          %dma_wait3A_306 = arith.constant 0 : i32
          %dma_wait3A_307 = tpu.memref_slice %arg8[%dma_wait3A_301, %dma_wait3A_306] : memref<200x100xi32, #tpu.memory_space<vmem>> -> memref<1x100xi32, #tpu.memory_space<vmem>>
          %dma_wait3A_308 = tpu.memref_squeeze %dma_wait3A_307 : memref<1x100xi32, #tpu.memory_space<vmem>> -> memref<100xi32, #tpu.memory_space<vmem>>
          %dma_wait3A_309 = arith.constant 0 : i32
          %dma_wait3A_310 = arith.constant 0 : i32
          %dma_wait3A_311 = tpu.memref_slice %arg10[%dma_wait3A_309, %dma_wait3A_310] : memref<10000x64xf32, #tpu.memory_space<vmem_shared>> -> memref<10000x64xf32, #tpu.memory_space<vmem_shared>>
          tpu.wait_indirect_dma semaphore(%arg17 : memref<!tpu.dma_semaphore, #tpu.memory_space<semaphore_mem>>) src(%dma_wait3A_305 : memref<100x64xf32, #tpu.memory_space<vmem>>) dst(%dma_wait3A_311 : memref<10000x64xf32, #tpu.memory_space<vmem_shared>>)
        } else {
        }
        %add3A_285 = arith.constant 5 : i32
        %add3A_286 = arith.addi %add3A_182, %add3A_285 : i32
        %sub3A_287 = arith.constant 1 : i32
        %sub3A_288 = arith.subi %add3A_286, %sub3A_287 : i32
        %dma_start3A_289 = arith.constant 1 : i32
        %dma_start3A_290 = arith.constant 0 : i32
        %dma_start3A_291 = arith.constant 0 : i32
        %dma_start3A_292 = tpu.memref_slice %arg9[%dma_start3A_289, %dma_start3A_290, %dma_start3A_291] : memref<5x100x64xf32, #tpu.memory_space<vmem>> -> memref<1x100x64xf32, #tpu.memory_space<vmem>>
        %dma_start3A_293 = tpu.memref_squeeze %dma_start3A_292 : memref<1x100x64xf32, #tpu.memory_space<vmem>> -> memref<100x64xf32, #tpu.memory_space<vmem>>
        %dma_start3A_294 = arith.constant 0 : i32
        %dma_start3A_295 = tpu.memref_slice %arg7[%sub3A_288, %dma_start3A_294] : memref<200x100xi32, #tpu.memory_space<vmem>> -> memref<1x100xi32, #tpu.memory_space<vmem>>
        %dma_start3A_296 = tpu.memref_squeeze %dma_start3A_295 : memref<1x100xi32, #tpu.memory_space<vmem>> -> memref<100xi32, #tpu.memory_space<vmem>>
        %dma_start3A_297 = arith.constant 0 : i32
        %dma_start3A_298 = arith.constant 0 : i32
        %dma_start3A_299 = tpu.memref_slice %arg2[%dma_start3A_297, %dma_start3A_298] : memref<20000x64xf32, #tpu.memory_space<hbm>> -> memref<20000x64xf32, #tpu.memory_space<hbm>>
        tpu.enqueue_indirect_dma source(%dma_start3A_299 : memref<20000x64xf32, #tpu.memory_space<hbm>>) target(%dma_start3A_293 : memref<100x64xf32, #tpu.memory_space<vmem>>) offsets(%dma_start3A_296 : memref<100xi32, #tpu.memory_space<vmem>>) semaphore(%arg12 : memref<!tpu.dma_semaphore, #tpu.memory_space<semaphore_mem>>)
      } else {
      }
      %dma_wait3A_192 = arith.constant 2 : i32
      %dma_wait3A_193 = arith.constant 0 : i32
      %dma_wait3A_194 = arith.constant 0 : i32
      %dma_wait3A_195 = tpu.memref_slice %arg9[%dma_wait3A_192, %dma_wait3A_193, %dma_wait3A_194] : memref<5x100x64xf32, #tpu.memory_space<vmem>> -> memref<1x100x64xf32, #tpu.memory_space<vmem>>
      %dma_wait3A_196 = tpu.memref_squeeze %dma_wait3A_195 : memref<1x100x64xf32, #tpu.memory_space<vmem>> -> memref<100x64xf32, #tpu.memory_space<vmem>>
      %dma_wait3A_197 = arith.constant 0 : i32
      %dma_wait3A_198 = tpu.memref_slice %arg7[%add3A_182, %dma_wait3A_197] : memref<200x100xi32, #tpu.memory_space<vmem>> -> memref<1x100xi32, #tpu.memory_space<vmem>>
      %dma_wait3A_199 = tpu.memref_squeeze %dma_wait3A_198 : memref<1x100xi32, #tpu.memory_space<vmem>> -> memref<100xi32, #tpu.memory_space<vmem>>
      %dma_wait3A_200 = arith.constant 0 : i32
      %dma_wait3A_201 = arith.constant 0 : i32
      %dma_wait3A_202 = tpu.memref_slice %arg2[%dma_wait3A_200, %dma_wait3A_201] : memref<20000x64xf32, #tpu.memory_space<hbm>> -> memref<20000x64xf32, #tpu.memory_space<hbm>>
      tpu.wait_indirect_dma semaphore(%arg13 : memref<!tpu.dma_semaphore, #tpu.memory_space<semaphore_mem>>) src(%dma_wait3A_202 : memref<20000x64xf32, #tpu.memory_space<hbm>>) dst(%dma_wait3A_196 : memref<100x64xf32, #tpu.memory_space<vmem>>)
      %dma_start3A_203 = arith.constant 2 : i32
      %dma_start3A_204 = arith.constant 0 : i32
      %dma_start3A_205 = arith.constant 0 : i32
      %dma_start3A_206 = tpu.memref_slice %arg9[%dma_start3A_203, %dma_start3A_204, %dma_start3A_205] : memref<5x100x64xf32, #tpu.memory_space<vmem>> -> memref<1x100x64xf32, #tpu.memory_space<vmem>>
      %dma_start3A_207 = tpu.memref_squeeze %dma_start3A_206 : memref<1x100x64xf32, #tpu.memory_space<vmem>> -> memref<100x64xf32, #tpu.memory_space<vmem>>
      %dma_start3A_208 = arith.constant 0 : i32
      %dma_start3A_209 = tpu.memref_slice %arg8[%add3A_182, %dma_start3A_208] : memref<200x100xi32, #tpu.memory_space<vmem>> -> memref<1x100xi32, #tpu.memory_space<vmem>>
      %dma_start3A_210 = tpu.memref_squeeze %dma_start3A_209 : memref<1x100xi32, #tpu.memory_space<vmem>> -> memref<100xi32, #tpu.memory_space<vmem>>
      %dma_start3A_211 = arith.constant 0 : i32
      %dma_start3A_212 = arith.constant 0 : i32
      %dma_start3A_213 = tpu.memref_slice %arg10[%dma_start3A_211, %dma_start3A_212] : memref<10000x64xf32, #tpu.memory_space<vmem_shared>> -> memref<10000x64xf32, #tpu.memory_space<vmem_shared>>
      tpu.enqueue_indirect_dma source(%dma_start3A_207 : memref<100x64xf32, #tpu.memory_space<vmem>>) target(%dma_start3A_213 : memref<10000x64xf32, #tpu.memory_space<vmem_shared>>) offsets(%dma_start3A_210 : memref<100xi32, #tpu.memory_space<vmem>>) semaphore(%arg18 : memref<!tpu.dma_semaphore, #tpu.memory_space<semaphore_mem>>) {add = true}
      %add3A_214 = arith.constant 3 : i32
      %add3A_215 = arith.addi %mul3A_119, %add3A_214 : i32
      %add3A_216 = arith.constant 5 : i32
      %add3A_217 = arith.addi %add3A_215, %add3A_216 : i32
      %sub3A_218 = arith.constant 1 : i32
      %sub3A_219 = arith.subi %add3A_217, %sub3A_218 : i32
      %lt3A_220 = arith.constant 200 : i32
      %lt3A_221 = arith.cmpi slt, %sub3A_219, %lt3A_220 : i32
      %convert_element_type3A_222 = arith.extui %lt3A_221 : i1 to i32
      %cond3A_223 = arith.constant 0 : i32
      %cond3A_224 = arith.cmpi ne, %convert_element_type3A_222, %cond3A_223 : i32
      scf.if %cond3A_224 {
        %ge3A = arith.constant 1 : i32
        %ge3A_281 = arith.cmpi sge, %add3A_215, %ge3A : i32
        %convert_element_type3A_282 = arith.extui %ge3A_281 : i1 to i32
        %cond3A_283 = arith.constant 0 : i32
        %cond3A_284 = arith.cmpi ne, %convert_element_type3A_282, %cond3A_283 : i32
        scf.if %cond3A_284 {
          %dma_wait3A_300 = arith.constant 2 : i32
          %dma_wait3A_301 = arith.constant 0 : i32
          %dma_wait3A_302 = arith.constant 0 : i32
          %dma_wait3A_303 = arith.constant 0 : i32
          %dma_wait3A_304 = tpu.memref_slice %arg9[%dma_wait3A_300, %dma_wait3A_302, %dma_wait3A_303] : memref<5x100x64xf32, #tpu.memory_space<vmem>> -> memref<1x100x64xf32, #tpu.memory_space<vmem>>
          %dma_wait3A_305 = tpu.memref_squeeze %dma_wait3A_304 : memref<1x100x64xf32, #tpu.memory_space<vmem>> -> memref<100x64xf32, #tpu.memory_space<vmem>>
          %dma_wait3A_306 = arith.constant 0 : i32
          %dma_wait3A_307 = tpu.memref_slice %arg8[%dma_wait3A_301, %dma_wait3A_306] : memref<200x100xi32, #tpu.memory_space<vmem>> -> memref<1x100xi32, #tpu.memory_space<vmem>>
          %dma_wait3A_308 = tpu.memref_squeeze %dma_wait3A_307 : memref<1x100xi32, #tpu.memory_space<vmem>> -> memref<100xi32, #tpu.memory_space<vmem>>
          %dma_wait3A_309 = arith.constant 0 : i32
          %dma_wait3A_310 = arith.constant 0 : i32
          %dma_wait3A_311 = tpu.memref_slice %arg10[%dma_wait3A_309, %dma_wait3A_310] : memref<10000x64xf32, #tpu.memory_space<vmem_shared>> -> memref<10000x64xf32, #tpu.memory_space<vmem_shared>>
          tpu.wait_indirect_dma semaphore(%arg18 : memref<!tpu.dma_semaphore, #tpu.memory_space<semaphore_mem>>) src(%dma_wait3A_305 : memref<100x64xf32, #tpu.memory_space<vmem>>) dst(%dma_wait3A_311 : memref<10000x64xf32, #tpu.memory_space<vmem_shared>>)
        } else {
        }
        %add3A_285 = arith.constant 5 : i32
        %add3A_286 = arith.addi %add3A_215, %add3A_285 : i32
        %sub3A_287 = arith.constant 1 : i32
        %sub3A_288 = arith.subi %add3A_286, %sub3A_287 : i32
        %dma_start3A_289 = arith.constant 2 : i32
        %dma_start3A_290 = arith.constant 0 : i32
        %dma_start3A_291 = arith.constant 0 : i32
        %dma_start3A_292 = tpu.memref_slice %arg9[%dma_start3A_289, %dma_start3A_290, %dma_start3A_291] : memref<5x100x64xf32, #tpu.memory_space<vmem>> -> memref<1x100x64xf32, #tpu.memory_space<vmem>>
        %dma_start3A_293 = tpu.memref_squeeze %dma_start3A_292 : memref<1x100x64xf32, #tpu.memory_space<vmem>> -> memref<100x64xf32, #tpu.memory_space<vmem>>
        %dma_start3A_294 = arith.constant 0 : i32
        %dma_start3A_295 = tpu.memref_slice %arg7[%sub3A_288, %dma_start3A_294] : memref<200x100xi32, #tpu.memory_space<vmem>> -> memref<1x100xi32, #tpu.memory_space<vmem>>
        %dma_start3A_296 = tpu.memref_squeeze %dma_start3A_295 : memref<1x100xi32, #tpu.memory_space<vmem>> -> memref<100xi32, #tpu.memory_space<vmem>>
        %dma_start3A_297 = arith.constant 0 : i32
        %dma_start3A_298 = arith.constant 0 : i32
        %dma_start3A_299 = tpu.memref_slice %arg2[%dma_start3A_297, %dma_start3A_298] : memref<20000x64xf32, #tpu.memory_space<hbm>> -> memref<20000x64xf32, #tpu.memory_space<hbm>>
        tpu.enqueue_indirect_dma source(%dma_start3A_299 : memref<20000x64xf32, #tpu.memory_space<hbm>>) target(%dma_start3A_293 : memref<100x64xf32, #tpu.memory_space<vmem>>) offsets(%dma_start3A_296 : memref<100xi32, #tpu.memory_space<vmem>>) semaphore(%arg13 : memref<!tpu.dma_semaphore, #tpu.memory_space<semaphore_mem>>)
      } else {
      }
      %dma_wait3A_225 = arith.constant 3 : i32
      %dma_wait3A_226 = arith.constant 0 : i32
      %dma_wait3A_227 = arith.constant 0 : i32
      %dma_wait3A_228 = tpu.memref_slice %arg9[%dma_wait3A_225, %dma_wait3A_226, %dma_wait3A_227] : memref<5x100x64xf32, #tpu.memory_space<vmem>> -> memref<1x100x64xf32, #tpu.memory_space<vmem>>
      %dma_wait3A_229 = tpu.memref_squeeze %dma_wait3A_228 : memref<1x100x64xf32, #tpu.memory_space<vmem>> -> memref<100x64xf32, #tpu.memory_space<vmem>>
      %dma_wait3A_230 = arith.constant 0 : i32
      %dma_wait3A_231 = tpu.memref_slice %arg7[%add3A_215, %dma_wait3A_230] : memref<200x100xi32, #tpu.memory_space<vmem>> -> memref<1x100xi32, #tpu.memory_space<vmem>>
      %dma_wait3A_232 = tpu.memref_squeeze %dma_wait3A_231 : memref<1x100xi32, #tpu.memory_space<vmem>> -> memref<100xi32, #tpu.memory_space<vmem>>
      %dma_wait3A_233 = arith.constant 0 : i32
      %dma_wait3A_234 = arith.constant 0 : i32
      %dma_wait3A_235 = tpu.memref_slice %arg2[%dma_wait3A_233, %dma_wait3A_234] : memref<20000x64xf32, #tpu.memory_space<hbm>> -> memref<20000x64xf32, #tpu.memory_space<hbm>>
      tpu.wait_indirect_dma semaphore(%arg14 : memref<!tpu.dma_semaphore, #tpu.memory_space<semaphore_mem>>) src(%dma_wait3A_235 : memref<20000x64xf32, #tpu.memory_space<hbm>>) dst(%dma_wait3A_229 : memref<100x64xf32, #tpu.memory_space<vmem>>)
      %dma_start3A_236 = arith.constant 3 : i32
      %dma_start3A_237 = arith.constant 0 : i32
      %dma_start3A_238 = arith.constant 0 : i32
      %dma_start3A_239 = tpu.memref_slice %arg9[%dma_start3A_236, %dma_start3A_237, %dma_start3A_238] : memref<5x100x64xf32, #tpu.memory_space<vmem>> -> memref<1x100x64xf32, #tpu.memory_space<vmem>>
      %dma_start3A_240 = tpu.memref_squeeze %dma_start3A_239 : memref<1x100x64xf32, #tpu.memory_space<vmem>> -> memref<100x64xf32, #tpu.memory_space<vmem>>
      %dma_start3A_241 = arith.constant 0 : i32
      %dma_start3A_242 = tpu.memref_slice %arg8[%add3A_215, %dma_start3A_241] : memref<200x100xi32, #tpu.memory_space<vmem>> -> memref<1x100xi32, #tpu.memory_space<vmem>>
      %dma_start3A_243 = tpu.memref_squeeze %dma_start3A_242 : memref<1x100xi32, #tpu.memory_space<vmem>> -> memref<100xi32, #tpu.memory_space<vmem>>
      %dma_start3A_244 = arith.constant 0 : i32
      %dma_start3A_245 = arith.constant 0 : i32
      %dma_start3A_246 = tpu.memref_slice %arg10[%dma_start3A_244, %dma_start3A_245] : memref<10000x64xf32, #tpu.memory_space<vmem_shared>> -> memref<10000x64xf32, #tpu.memory_space<vmem_shared>>
      tpu.enqueue_indirect_dma source(%dma_start3A_240 : memref<100x64xf32, #tpu.memory_space<vmem>>) target(%dma_start3A_246 : memref<10000x64xf32, #tpu.memory_space<vmem_shared>>) offsets(%dma_start3A_243 : memref<100xi32, #tpu.memory_space<vmem>>) semaphore(%arg19 : memref<!tpu.dma_semaphore, #tpu.memory_space<semaphore_mem>>) {add = true}
      %add3A_247 = arith.constant 4 : i32
      %add3A_248 = arith.addi %mul3A_119, %add3A_247 : i32
      %add3A_249 = arith.constant 5 : i32
      %add3A_250 = arith.addi %add3A_248, %add3A_249 : i32
      %sub3A_251 = arith.constant 1 : i32
      %sub3A_252 = arith.subi %add3A_250, %sub3A_251 : i32
      %lt3A_253 = arith.constant 200 : i32
      %lt3A_254 = arith.cmpi slt, %sub3A_252, %lt3A_253 : i32
      %convert_element_type3A_255 = arith.extui %lt3A_254 : i1 to i32
      %cond3A_256 = arith.constant 0 : i32
      %cond3A_257 = arith.cmpi ne, %convert_element_type3A_255, %cond3A_256 : i32
      scf.if %cond3A_257 {
        %ge3A = arith.constant 1 : i32
        %ge3A_281 = arith.cmpi sge, %add3A_248, %ge3A : i32
        %convert_element_type3A_282 = arith.extui %ge3A_281 : i1 to i32
        %cond3A_283 = arith.constant 0 : i32
        %cond3A_284 = arith.cmpi ne, %convert_element_type3A_282, %cond3A_283 : i32
        scf.if %cond3A_284 {
          %dma_wait3A_300 = arith.constant 3 : i32
          %dma_wait3A_301 = arith.constant 0 : i32
          %dma_wait3A_302 = arith.constant 0 : i32
          %dma_wait3A_303 = arith.constant 0 : i32
          %dma_wait3A_304 = tpu.memref_slice %arg9[%dma_wait3A_300, %dma_wait3A_302, %dma_wait3A_303] : memref<5x100x64xf32, #tpu.memory_space<vmem>> -> memref<1x100x64xf32, #tpu.memory_space<vmem>>
          %dma_wait3A_305 = tpu.memref_squeeze %dma_wait3A_304 : memref<1x100x64xf32, #tpu.memory_space<vmem>> -> memref<100x64xf32, #tpu.memory_space<vmem>>
          %dma_wait3A_306 = arith.constant 0 : i32
          %dma_wait3A_307 = tpu.memref_slice %arg8[%dma_wait3A_301, %dma_wait3A_306] : memref<200x100xi32, #tpu.memory_space<vmem>> -> memref<1x100xi32, #tpu.memory_space<vmem>>
          %dma_wait3A_308 = tpu.memref_squeeze %dma_wait3A_307 : memref<1x100xi32, #tpu.memory_space<vmem>> -> memref<100xi32, #tpu.memory_space<vmem>>
          %dma_wait3A_309 = arith.constant 0 : i32
          %dma_wait3A_310 = arith.constant 0 : i32
          %dma_wait3A_311 = tpu.memref_slice %arg10[%dma_wait3A_309, %dma_wait3A_310] : memref<10000x64xf32, #tpu.memory_space<vmem_shared>> -> memref<10000x64xf32, #tpu.memory_space<vmem_shared>>
          tpu.wait_indirect_dma semaphore(%arg19 : memref<!tpu.dma_semaphore, #tpu.memory_space<semaphore_mem>>) src(%dma_wait3A_305 : memref<100x64xf32, #tpu.memory_space<vmem>>) dst(%dma_wait3A_311 : memref<10000x64xf32, #tpu.memory_space<vmem_shared>>)
        } else {
        }
        %add3A_285 = arith.constant 5 : i32
        %add3A_286 = arith.addi %add3A_248, %add3A_285 : i32
        %sub3A_287 = arith.constant 1 : i32
        %sub3A_288 = arith.subi %add3A_286, %sub3A_287 : i32
        %dma_start3A_289 = arith.constant 3 : i32
        %dma_start3A_290 = arith.constant 0 : i32
        %dma_start3A_291 = arith.constant 0 : i32
        %dma_start3A_292 = tpu.memref_slice %arg9[%dma_start3A_289, %dma_start3A_290, %dma_start3A_291] : memref<5x100x64xf32, #tpu.memory_space<vmem>> -> memref<1x100x64xf32, #tpu.memory_space<vmem>>
        %dma_start3A_293 = tpu.memref_squeeze %dma_start3A_292 : memref<1x100x64xf32, #tpu.memory_space<vmem>> -> memref<100x64xf32, #tpu.memory_space<vmem>>
        %dma_start3A_294 = arith.constant 0 : i32
        %dma_start3A_295 = tpu.memref_slice %arg7[%sub3A_288, %dma_start3A_294] : memref<200x100xi32, #tpu.memory_space<vmem>> -> memref<1x100xi32, #tpu.memory_space<vmem>>
        %dma_start3A_296 = tpu.memref_squeeze %dma_start3A_295 : memref<1x100xi32, #tpu.memory_space<vmem>> -> memref<100xi32, #tpu.memory_space<vmem>>
        %dma_start3A_297 = arith.constant 0 : i32
        %dma_start3A_298 = arith.constant 0 : i32
        %dma_start3A_299 = tpu.memref_slice %arg2[%dma_start3A_297, %dma_start3A_298] : memref<20000x64xf32, #tpu.memory_space<hbm>> -> memref<20000x64xf32, #tpu.memory_space<hbm>>
        tpu.enqueue_indirect_dma source(%dma_start3A_299 : memref<20000x64xf32, #tpu.memory_space<hbm>>) target(%dma_start3A_293 : memref<100x64xf32, #tpu.memory_space<vmem>>) offsets(%dma_start3A_296 : memref<100xi32, #tpu.memory_space<vmem>>) semaphore(%arg14 : memref<!tpu.dma_semaphore, #tpu.memory_space<semaphore_mem>>)
      } else {
      }
      %dma_wait3A_258 = arith.constant 4 : i32
      %dma_wait3A_259 = arith.constant 0 : i32
      %dma_wait3A_260 = arith.constant 0 : i32
      %dma_wait3A_261 = tpu.memref_slice %arg9[%dma_wait3A_258, %dma_wait3A_259, %dma_wait3A_260] : memref<5x100x64xf32, #tpu.memory_space<vmem>> -> memref<1x100x64xf32, #tpu.memory_space<vmem>>
      %dma_wait3A_262 = tpu.memref_squeeze %dma_wait3A_261 : memref<1x100x64xf32, #tpu.memory_space<vmem>> -> memref<100x64xf32, #tpu.memory_space<vmem>>
      %dma_wait3A_263 = arith.constant 0 : i32
      %dma_wait3A_264 = tpu.memref_slice %arg7[%add3A_248, %dma_wait3A_263] : memref<200x100xi32, #tpu.memory_space<vmem>> -> memref<1x100xi32, #tpu.memory_space<vmem>>
      %dma_wait3A_265 = tpu.memref_squeeze %dma_wait3A_264 : memref<1x100xi32, #tpu.memory_space<vmem>> -> memref<100xi32, #tpu.memory_space<vmem>>
      %dma_wait3A_266 = arith.constant 0 : i32
      %dma_wait3A_267 = arith.constant 0 : i32
      %dma_wait3A_268 = tpu.memref_slice %arg2[%dma_wait3A_266, %dma_wait3A_267] : memref<20000x64xf32, #tpu.memory_space<hbm>> -> memref<20000x64xf32, #tpu.memory_space<hbm>>
      tpu.wait_indirect_dma semaphore(%arg15 : memref<!tpu.dma_semaphore, #tpu.memory_space<semaphore_mem>>) src(%dma_wait3A_268 : memref<20000x64xf32, #tpu.memory_space<hbm>>) dst(%dma_wait3A_262 : memref<100x64xf32, #tpu.memory_space<vmem>>)
      %dma_start3A_269 = arith.constant 4 : i32
      %dma_start3A_270 = arith.constant 0 : i32
      %dma_start3A_271 = arith.constant 0 : i32
      %dma_start3A_272 = tpu.memref_slice %arg9[%dma_start3A_269, %dma_start3A_270, %dma_start3A_271] : memref<5x100x64xf32, #tpu.memory_space<vmem>> -> memref<1x100x64xf32, #tpu.memory_space<vmem>>
      %dma_start3A_273 = tpu.memref_squeeze %dma_start3A_272 : memref<1x100x64xf32, #tpu.memory_space<vmem>> -> memref<100x64xf32, #tpu.memory_space<vmem>>
      %dma_start3A_274 = arith.constant 0 : i32
      %dma_start3A_275 = tpu.memref_slice %arg8[%add3A_248, %dma_start3A_274] : memref<200x100xi32, #tpu.memory_space<vmem>> -> memref<1x100xi32, #tpu.memory_space<vmem>>
      %dma_start3A_276 = tpu.memref_squeeze %dma_start3A_275 : memref<1x100xi32, #tpu.memory_space<vmem>> -> memref<100xi32, #tpu.memory_space<vmem>>
      %dma_start3A_277 = arith.constant 0 : i32
      %dma_start3A_278 = arith.constant 0 : i32
      %dma_start3A_279 = tpu.memref_slice %arg10[%dma_start3A_277, %dma_start3A_278] : memref<10000x64xf32, #tpu.memory_space<vmem_shared>> -> memref<10000x64xf32, #tpu.memory_space<vmem_shared>>
      tpu.enqueue_indirect_dma source(%dma_start3A_273 : memref<100x64xf32, #tpu.memory_space<vmem>>) target(%dma_start3A_279 : memref<10000x64xf32, #tpu.memory_space<vmem_shared>>) offsets(%dma_start3A_276 : memref<100xi32, #tpu.memory_space<vmem>>) semaphore(%arg20 : memref<!tpu.dma_semaphore, #tpu.memory_space<semaphore_mem>>) {add = true}
      %scan3A_280 = arith.constant 0 : i32
      scf.yield %scan3A_280 : i32
    }
    %scan3A_53 = arith.constant 40 : i32
    %dma_wait3A = arith.constant 0 : i32
    %dma_wait3A_54 = arith.constant 0 : i32
    %dma_wait3A_55 = arith.constant 0 : i32
    %dma_wait3A_56 = arith.constant 0 : i32
    %dma_wait3A_57 = tpu.memref_slice %arg9[%dma_wait3A, %dma_wait3A_55, %dma_wait3A_56] : memref<5x100x64xf32, #tpu.memory_space<vmem>> -> memref<1x100x64xf32, #tpu.memory_space<vmem>>
    %dma_wait3A_58 = tpu.memref_squeeze %dma_wait3A_57 : memref<1x100x64xf32, #tpu.memory_space<vmem>> -> memref<100x64xf32, #tpu.memory_space<vmem>>
    %dma_wait3A_59 = arith.constant 0 : i32
    %dma_wait3A_60 = tpu.memref_slice %arg8[%dma_wait3A_54, %dma_wait3A_59] : memref<200x100xi32, #tpu.memory_space<vmem>> -> memref<1x100xi32, #tpu.memory_space<vmem>>
    %dma_wait3A_61 = tpu.memref_squeeze %dma_wait3A_60 : memref<1x100xi32, #tpu.memory_space<vmem>> -> memref<100xi32, #tpu.memory_space<vmem>>
    %dma_wait3A_62 = arith.constant 0 : i32
    %dma_wait3A_63 = arith.constant 0 : i32
    %dma_wait3A_64 = tpu.memref_slice %arg10[%dma_wait3A_62, %dma_wait3A_63] : memref<10000x64xf32, #tpu.memory_space<vmem_shared>> -> memref<10000x64xf32, #tpu.memory_space<vmem_shared>>
    tpu.wait_indirect_dma semaphore(%arg16 : memref<!tpu.dma_semaphore, #tpu.memory_space<semaphore_mem>>) src(%dma_wait3A_58 : memref<100x64xf32, #tpu.memory_space<vmem>>) dst(%dma_wait3A_64 : memref<10000x64xf32, #tpu.memory_space<vmem_shared>>)
    %dma_wait3A_65 = arith.constant 1 : i32
    %dma_wait3A_66 = arith.constant 0 : i32
    %dma_wait3A_67 = arith.constant 0 : i32
    %dma_wait3A_68 = arith.constant 0 : i32
    %dma_wait3A_69 = tpu.memref_slice %arg9[%dma_wait3A_65, %dma_wait3A_67, %dma_wait3A_68] : memref<5x100x64xf32, #tpu.memory_space<vmem>> -> memref<1x100x64xf32, #tpu.memory_space<vmem>>
    %dma_wait3A_70 = tpu.memref_squeeze %dma_wait3A_69 : memref<1x100x64xf32, #tpu.memory_space<vmem>> -> memref<100x64xf32, #tpu.memory_space<vmem>>
    %dma_wait3A_71 = arith.constant 0 : i32
    %dma_wait3A_72 = tpu.memref_slice %arg8[%dma_wait3A_66, %dma_wait3A_71] : memref<200x100xi32, #tpu.memory_space<vmem>> -> memref<1x100xi32, #tpu.memory_space<vmem>>
    %dma_wait3A_73 = tpu.memref_squeeze %dma_wait3A_72 : memref<1x100xi32, #tpu.memory_space<vmem>> -> memref<100xi32, #tpu.memory_space<vmem>>
    %dma_wait3A_74 = arith.constant 0 : i32
    %dma_wait3A_75 = arith.constant 0 : i32
    %dma_wait3A_76 = tpu.memref_slice %arg10[%dma_wait3A_74, %dma_wait3A_75] : memref<10000x64xf32, #tpu.memory_space<vmem_shared>> -> memref<10000x64xf32, #tpu.memory_space<vmem_shared>>
    tpu.wait_indirect_dma semaphore(%arg17 : memref<!tpu.dma_semaphore, #tpu.memory_space<semaphore_mem>>) src(%dma_wait3A_70 : memref<100x64xf32, #tpu.memory_space<vmem>>) dst(%dma_wait3A_76 : memref<10000x64xf32, #tpu.memory_space<vmem_shared>>)
    %dma_wait3A_77 = arith.constant 2 : i32
    %dma_wait3A_78 = arith.constant 0 : i32
    %dma_wait3A_79 = arith.constant 0 : i32
    %dma_wait3A_80 = arith.constant 0 : i32
    %dma_wait3A_81 = tpu.memref_slice %arg9[%dma_wait3A_77, %dma_wait3A_79, %dma_wait3A_80] : memref<5x100x64xf32, #tpu.memory_space<vmem>> -> memref<1x100x64xf32, #tpu.memory_space<vmem>>
    %dma_wait3A_82 = tpu.memref_squeeze %dma_wait3A_81 : memref<1x100x64xf32, #tpu.memory_space<vmem>> -> memref<100x64xf32, #tpu.memory_space<vmem>>
    %dma_wait3A_83 = arith.constant 0 : i32
    %dma_wait3A_84 = tpu.memref_slice %arg8[%dma_wait3A_78, %dma_wait3A_83] : memref<200x100xi32, #tpu.memory_space<vmem>> -> memref<1x100xi32, #tpu.memory_space<vmem>>
    %dma_wait3A_85 = tpu.memref_squeeze %dma_wait3A_84 : memref<1x100xi32, #tpu.memory_space<vmem>> -> memref<100xi32, #tpu.memory_space<vmem>>
    %dma_wait3A_86 = arith.constant 0 : i32
    %dma_wait3A_87 = arith.constant 0 : i32
    %dma_wait3A_88 = tpu.memref_slice %arg10[%dma_wait3A_86, %dma_wait3A_87] : memref<10000x64xf32, #tpu.memory_space<vmem_shared>> -> memref<10000x64xf32, #tpu.memory_space<vmem_shared>>
    tpu.wait_indirect_dma semaphore(%arg18 : memref<!tpu.dma_semaphore, #tpu.memory_space<semaphore_mem>>) src(%dma_wait3A_82 : memref<100x64xf32, #tpu.memory_space<vmem>>) dst(%dma_wait3A_88 : memref<10000x64xf32, #tpu.memory_space<vmem_shared>>)
    %dma_wait3A_89 = arith.constant 3 : i32
    %dma_wait3A_90 = arith.constant 0 : i32
    %dma_wait3A_91 = arith.constant 0 : i32
    %dma_wait3A_92 = arith.constant 0 : i32
    %dma_wait3A_93 = tpu.memref_slice %arg9[%dma_wait3A_89, %dma_wait3A_91, %dma_wait3A_92] : memref<5x100x64xf32, #tpu.memory_space<vmem>> -> memref<1x100x64xf32, #tpu.memory_space<vmem>>
    %dma_wait3A_94 = tpu.memref_squeeze %dma_wait3A_93 : memref<1x100x64xf32, #tpu.memory_space<vmem>> -> memref<100x64xf32, #tpu.memory_space<vmem>>
    %dma_wait3A_95 = arith.constant 0 : i32
    %dma_wait3A_96 = tpu.memref_slice %arg8[%dma_wait3A_90, %dma_wait3A_95] : memref<200x100xi32, #tpu.memory_space<vmem>> -> memref<1x100xi32, #tpu.memory_space<vmem>>
    %dma_wait3A_97 = tpu.memref_squeeze %dma_wait3A_96 : memref<1x100xi32, #tpu.memory_space<vmem>> -> memref<100xi32, #tpu.memory_space<vmem>>
    %dma_wait3A_98 = arith.constant 0 : i32
    %dma_wait3A_99 = arith.constant 0 : i32
    %dma_wait3A_100 = tpu.memref_slice %arg10[%dma_wait3A_98, %dma_wait3A_99] : memref<10000x64xf32, #tpu.memory_space<vmem_shared>> -> memref<10000x64xf32, #tpu.memory_space<vmem_shared>>
    tpu.wait_indirect_dma semaphore(%arg19 : memref<!tpu.dma_semaphore, #tpu.memory_space<semaphore_mem>>) src(%dma_wait3A_94 : memref<100x64xf32, #tpu.memory_space<vmem>>) dst(%dma_wait3A_100 : memref<10000x64xf32, #tpu.memory_space<vmem_shared>>)
    %dma_wait3A_101 = arith.constant 4 : i32
    %dma_wait3A_102 = arith.constant 0 : i32
    %dma_wait3A_103 = arith.constant 0 : i32
    %dma_wait3A_104 = arith.constant 0 : i32
    %dma_wait3A_105 = tpu.memref_slice %arg9[%dma_wait3A_101, %dma_wait3A_103, %dma_wait3A_104] : memref<5x100x64xf32, #tpu.memory_space<vmem>> -> memref<1x100x64xf32, #tpu.memory_space<vmem>>
    %dma_wait3A_106 = tpu.memref_squeeze %dma_wait3A_105 : memref<1x100x64xf32, #tpu.memory_space<vmem>> -> memref<100x64xf32, #tpu.memory_space<vmem>>
    %dma_wait3A_107 = arith.constant 0 : i32
    %dma_wait3A_108 = tpu.memref_slice %arg8[%dma_wait3A_102, %dma_wait3A_107] : memref<200x100xi32, #tpu.memory_space<vmem>> -> memref<1x100xi32, #tpu.memory_space<vmem>>
    %dma_wait3A_109 = tpu.memref_squeeze %dma_wait3A_108 : memref<1x100xi32, #tpu.memory_space<vmem>> -> memref<100xi32, #tpu.memory_space<vmem>>
    %dma_wait3A_110 = arith.constant 0 : i32
    %dma_wait3A_111 = arith.constant 0 : i32
    %dma_wait3A_112 = tpu.memref_slice %arg10[%dma_wait3A_110, %dma_wait3A_111] : memref<10000x64xf32, #tpu.memory_space<vmem_shared>> -> memref<10000x64xf32, #tpu.memory_space<vmem_shared>>
    tpu.wait_indirect_dma semaphore(%arg20 : memref<!tpu.dma_semaphore, #tpu.memory_space<semaphore_mem>>) src(%dma_wait3A_106 : memref<100x64xf32, #tpu.memory_space<vmem>>) dst(%dma_wait3A_112 : memref<10000x64xf32, #tpu.memory_space<vmem_shared>>)
    %barrier3A_113 = arith.constant 0 : index
    tpu.barrier barrier_id(%barrier3A_113)
    %mul3A_114 = arith.constant 625 : i32
    %mul3A_115 = arith.muli %arg1, %mul3A_114 : i32
    "tpu.region"() ({
      %run_scoped3A = tpu.sem_alloc : memref<!tpu.dma_semaphore, #tpu.memory_space<semaphore_mem>>
      %dma_start3A_116 = arith.constant 0 : i32
      %dma_start3A_117 = arith.constant 0 : i32
      %dma_start3A_118 = tpu.memref_slice %arg6[%arg0, %arg1, %dma_start3A_116, %dma_start3A_117] : memref<2x16x625x64xf32, #tpu.memory_space<hbm>> -> memref<1x1x625x64xf32, #tpu.memory_space<hbm>>
      %dma_start3A_119 = tpu.memref_squeeze %dma_start3A_118 : memref<1x1x625x64xf32, #tpu.memory_space<hbm>> -> memref<625x64xf32, #tpu.memory_space<hbm>>
      %dma_start3A_120 = arith.constant 0 : i32
      %dma_start3A_121 = tpu.memref_slice %arg10[%mul3A_115, %dma_start3A_120] : memref<10000x64xf32, #tpu.memory_space<vmem_shared>> -> memref<625x64xf32, #tpu.memory_space<vmem_shared>>
      tpu.enqueue_dma source(%dma_start3A_121 : memref<625x64xf32, #tpu.memory_space<vmem_shared>>) target(%dma_start3A_119 : memref<625x64xf32, #tpu.memory_space<hbm>>) target_semaphore(%run_scoped3A : memref<!tpu.dma_semaphore, #tpu.memory_space<semaphore_mem>>)
      %dma_wait3A_122 = arith.constant 0 : i32
      %dma_wait3A_123 = arith.constant 0 : i32
      %dma_wait3A_124 = tpu.memref_slice %arg6[%arg0, %arg1, %dma_wait3A_122, %dma_wait3A_123] : memref<2x16x625x64xf32, #tpu.memory_space<hbm>> -> memref<1x1x625x64xf32, #tpu.memory_space<hbm>>
      %dma_wait3A_125 = tpu.memref_squeeze %dma_wait3A_124 : memref<1x1x625x64xf32, #tpu.memory_space<hbm>> -> memref<625x64xf32, #tpu.memory_space<hbm>>
      %dma_wait3A_126 = arith.constant 0 : i32
      %dma_wait3A_127 = tpu.memref_slice %arg10[%mul3A_115, %dma_wait3A_126] : memref<10000x64xf32, #tpu.memory_space<vmem_shared>> -> memref<625x64xf32, #tpu.memory_space<vmem_shared>>
      tpu.wait_dma2 semaphore(%run_scoped3A : memref<!tpu.dma_semaphore, #tpu.memory_space<semaphore_mem>>) src(%dma_wait3A_127 : memref<625x64xf32, #tpu.memory_space<vmem_shared>>) dst(%dma_wait3A_125 : memref<625x64xf32, #tpu.memory_space<hbm>>)
      tpu.yield
    }) : () -> ()
    return
  }
}

module attributes {stable_mosaic.version = 14 : i64} {
  func.func @_mlp1_body(%arg0: i32, %arg1: memref<2000x128xf32, #tpu.memory_space<vmem>>, %arg2: memref<2x2000x64xf32, #tpu.memory_space<vmem>>, %arg3: memref<128x128xf32, #tpu.memory_space<vmem>>, %arg4: memref<1x128xf32, #tpu.memory_space<vmem>>, %arg5: memref<128x128xf32, #tpu.memory_space<vmem>>, %arg6: memref<1x128xf32, #tpu.memory_space<vmem>>, %arg7: memref<2000x128xf32, #tpu.memory_space<vmem>>) attributes {dimension_semantics = [#tpu.dimension_semantics<arbitrary>], iteration_bounds = array<i64: 5>, scalar_prefetch = 0 : i64, scratch_operands = 0 : i64, tpu.core_type = #tpu.core_type<tc>, window_params = [{transform_indices = @transform_0, window_bounds = array<i64: 2000, 128>}, {transform_indices = @transform_1, window_bounds = array<i64: 2, 2000, 64>}, {pipeline_mode = #tpu.pipeline_mode<synchronous>, transform_indices = @transform_2, window_bounds = array<i64: 128, 128>}, {pipeline_mode = #tpu.pipeline_mode<synchronous>, transform_indices = @transform_3, window_bounds = array<i64: 1, 128>}, {pipeline_mode = #tpu.pipeline_mode<synchronous>, transform_indices = @transform_4, window_bounds = array<i64: 128, 128>}, {pipeline_mode = #tpu.pipeline_mode<synchronous>, transform_indices = @transform_5, window_bounds = array<i64: 1, 128>}, {transform_indices = @transform_6, window_bounds = array<i64: 2000, 128>}]} {
    %get3A = arith.constant 0 : index
    %get3A_0 = arith.constant 0 : index
    %get3A_1 = vector.load %arg1[%get3A, %get3A_0] : memref<2000x128xf32, #tpu.memory_space<vmem>>, vector<2000x128xf32>
    %get3A_2 = arith.constant 0 : index
    %get3A_3 = arith.constant 0 : index
    %get3A_4 = arith.constant 0 : index
    %get3A_5 = vector.load %arg2[%get3A_2, %get3A_3, %get3A_4] : memref<2x2000x64xf32, #tpu.memory_space<vmem>>, vector<1x2000x64xf32>
    %get3A_6 = vector.shape_cast %get3A_5 : vector<1x2000x64xf32> to vector<2000x64xf32>
    %get3A_7 = arith.constant 1 : index
    %get3A_8 = arith.constant 0 : index
    %get3A_9 = arith.constant 0 : index
    %get3A_10 = vector.load %arg2[%get3A_7, %get3A_8, %get3A_9] : memref<2x2000x64xf32, #tpu.memory_space<vmem>>, vector<1x2000x64xf32>
    %get3A_11 = vector.shape_cast %get3A_10 : vector<1x2000x64xf32> to vector<2000x64xf32>
    %concatenate3A = tpu.concatenate %get3A_6, %get3A_11 in 1 : vector<2000x64xf32>, vector<2000x64xf32> -> vector<2000x128xf32>
    %add3A = arith.addf %get3A_1, %concatenate3A : vector<2000x128xf32>
    %get3A_12 = arith.constant 0 : index
    %get3A_13 = arith.constant 0 : index
    %get3A_14 = vector.load %arg3[%get3A_12, %get3A_13] : memref<128x128xf32, #tpu.memory_space<vmem>>, vector<128x128xf32>
    %dot_general3A = arith.constant dense<0.000000e+00> : vector<2000x128xf32>
    %dot_general3A_15 = tpu.matmul %add3A, %get3A_14, %dot_general3A {dimension_numbers = #tpu.dot_dimension_numbers<[1], [0], [0], [1], [0, 0, 1, 1], [], []>, transpose_lhs_hint = false} : vector<2000x128xf32>, vector<128x128xf32>, vector<2000x128xf32> -> vector<2000x128xf32>
    %get3A_16 = arith.constant 0 : index
    %get3A_17 = arith.constant 0 : index
    %get3A_18 = vector.load %arg4[%get3A_16, %get3A_17] : memref<1x128xf32, #tpu.memory_space<vmem>>, vector<1x128xf32>
    %add3A_19 = vector.broadcast %get3A_18 : vector<1x128xf32> to vector<2000x128xf32>
    %add3A_20 = arith.addf %dot_general3A_15, %add3A_19 : vector<2000x128xf32>
    %max3A = arith.constant 0.000000e+00 : f32
    %max3A_21 = vector.broadcast %max3A : f32 to vector<2000x128xf32>
    %max3A_22 = arith.maximumf %add3A_20, %max3A_21 : vector<2000x128xf32>
    %get3A_23 = arith.constant 0 : index
    %get3A_24 = arith.constant 0 : index
    %get3A_25 = vector.load %arg5[%get3A_23, %get3A_24] : memref<128x128xf32, #tpu.memory_space<vmem>>, vector<128x128xf32>
    %dot_general3A_26 = arith.constant dense<0.000000e+00> : vector<2000x128xf32>
    %dot_general3A_27 = tpu.matmul %max3A_22, %get3A_25, %dot_general3A_26 {dimension_numbers = #tpu.dot_dimension_numbers<[1], [0], [0], [1], [0, 0, 1, 1], [], []>, transpose_lhs_hint = false} : vector<2000x128xf32>, vector<128x128xf32>, vector<2000x128xf32> -> vector<2000x128xf32>
    %get3A_28 = arith.constant 0 : index
    %get3A_29 = arith.constant 0 : index
    %get3A_30 = vector.load %arg6[%get3A_28, %get3A_29] : memref<1x128xf32, #tpu.memory_space<vmem>>, vector<1x128xf32>
    %add3A_31 = vector.broadcast %get3A_30 : vector<1x128xf32> to vector<2000x128xf32>
    %add3A_32 = arith.addf %dot_general3A_27, %add3A_31 : vector<2000x128xf32>
    %max3A_33 = arith.constant 0.000000e+00 : f32
    %max3A_34 = vector.broadcast %max3A_33 : f32 to vector<2000x128xf32>
    %max3A_35 = arith.maximumf %add3A_32, %max3A_34 : vector<2000x128xf32>
    %swap3A = arith.constant 0 : index
    %swap3A_36 = arith.constant 0 : index
    %swap3A_37 = vector.load %arg7[%swap3A, %swap3A_36] : memref<2000x128xf32, #tpu.memory_space<vmem>>, vector<2000x128xf32>
    tpu.vector_store %arg7[%swap3A, %swap3A_36], %max3A_35 {strides = array<i32>} : memref<2000x128xf32, #tpu.memory_space<vmem>>, vector<2000x128xf32>,
    return
  }
  func.func @transform_0(%arg0: i32) -> (i32, i32) {
    %c0_i32 = arith.constant 0 : i32
    %c0_i32_0 = arith.constant 0 : i32
    return %arg0, %c0_i32 : i32, i32
  }
  func.func @transform_1(%arg0: i32) -> (i32, i32, i32) {
    %c0_i32 = arith.constant 0 : i32
    %c0_i32_0 = arith.constant 0 : i32
    %c0_i32_1 = arith.constant 0 : i32
    return %c0_i32, %arg0, %c0_i32_0 : i32, i32, i32
  }
  func.func @transform_2(%arg0: i32) -> (i32, i32) {
    %c0_i32 = arith.constant 0 : i32
    %c0_i32_0 = arith.constant 0 : i32
    %c0_i32_1 = arith.constant 0 : i32
    return %c0_i32, %c0_i32_0 : i32, i32
  }
  func.func @transform_3(%arg0: i32) -> (i32, i32) {
    %c0_i32 = arith.constant 0 : i32
    %c0_i32_0 = arith.constant 0 : i32
    %c0_i32_1 = arith.constant 0 : i32
    return %c0_i32, %c0_i32_0 : i32, i32
  }
  func.func @transform_4(%arg0: i32) -> (i32, i32) {
    %c0_i32 = arith.constant 0 : i32
    %c0_i32_0 = arith.constant 0 : i32
    %c0_i32_1 = arith.constant 0 : i32
    return %c0_i32, %c0_i32_0 : i32, i32
  }
  func.func @transform_5(%arg0: i32) -> (i32, i32) {
    %c0_i32 = arith.constant 0 : i32
    %c0_i32_0 = arith.constant 0 : i32
    %c0_i32_1 = arith.constant 0 : i32
    return %c0_i32, %c0_i32_0 : i32, i32
  }
  func.func @transform_6(%arg0: i32) -> (i32, i32) {
    %c0_i32 = arith.constant 0 : i32
    %c0_i32_0 = arith.constant 0 : i32
    return %arg0, %c0_i32 : i32, i32
  }
}

module attributes {stable_mosaic.version = 14 : i64} {
  func.func @_mlp2_body(%arg0: i32, %arg1: memref<2000x128xf32, #tpu.memory_space<vmem>>, %arg2: memref<2x2000x64xf32, #tpu.memory_space<vmem>>, %arg3: memref<128x128xf32, #tpu.memory_space<vmem>>, %arg4: memref<1x128xf32, #tpu.memory_space<vmem>>, %arg5: memref<128x128xf32, #tpu.memory_space<vmem>>, %arg6: memref<1x128xf32, #tpu.memory_space<vmem>>, %arg7: memref<2000x128xf32, #tpu.memory_space<vmem>>) attributes {dimension_semantics = [#tpu.dimension_semantics<arbitrary>], iteration_bounds = array<i64: 5>, scalar_prefetch = 0 : i64, scratch_operands = 0 : i64, tpu.core_type = #tpu.core_type<tc>, window_params = [{transform_indices = @transform_0, window_bounds = array<i64: 2000, 128>}, {transform_indices = @transform_1, window_bounds = array<i64: 2, 2000, 64>}, {pipeline_mode = #tpu.pipeline_mode<synchronous>, transform_indices = @transform_2, window_bounds = array<i64: 128, 128>}, {pipeline_mode = #tpu.pipeline_mode<synchronous>, transform_indices = @transform_3, window_bounds = array<i64: 1, 128>}, {pipeline_mode = #tpu.pipeline_mode<synchronous>, transform_indices = @transform_4, window_bounds = array<i64: 128, 128>}, {pipeline_mode = #tpu.pipeline_mode<synchronous>, transform_indices = @transform_5, window_bounds = array<i64: 1, 128>}, {transform_indices = @transform_6, window_bounds = array<i64: 2000, 128>}]} {
    %get3A = arith.constant 0 : index
    %get3A_0 = arith.constant 0 : index
    %get3A_1 = vector.load %arg1[%get3A, %get3A_0] : memref<2000x128xf32, #tpu.memory_space<vmem>>, vector<2000x128xf32>
    %get3A_2 = arith.constant 0 : index
    %get3A_3 = arith.constant 0 : index
    %get3A_4 = arith.constant 0 : index
    %get3A_5 = vector.load %arg2[%get3A_2, %get3A_3, %get3A_4] : memref<2x2000x64xf32, #tpu.memory_space<vmem>>, vector<1x2000x64xf32>
    %get3A_6 = vector.shape_cast %get3A_5 : vector<1x2000x64xf32> to vector<2000x64xf32>
    %get3A_7 = arith.constant 1 : index
    %get3A_8 = arith.constant 0 : index
    %get3A_9 = arith.constant 0 : index
    %get3A_10 = vector.load %arg2[%get3A_7, %get3A_8, %get3A_9] : memref<2x2000x64xf32, #tpu.memory_space<vmem>>, vector<1x2000x64xf32>
    %get3A_11 = vector.shape_cast %get3A_10 : vector<1x2000x64xf32> to vector<2000x64xf32>
    %concatenate3A = tpu.concatenate %get3A_6, %get3A_11 in 1 : vector<2000x64xf32>, vector<2000x64xf32> -> vector<2000x128xf32>
    %add3A = arith.addf %get3A_1, %concatenate3A : vector<2000x128xf32>
    %get3A_12 = arith.constant 0 : index
    %get3A_13 = arith.constant 0 : index
    %get3A_14 = vector.load %arg3[%get3A_12, %get3A_13] : memref<128x128xf32, #tpu.memory_space<vmem>>, vector<128x128xf32>
    %dot_general3A = arith.constant dense<0.000000e+00> : vector<2000x128xf32>
    %dot_general3A_15 = tpu.matmul %add3A, %get3A_14, %dot_general3A {dimension_numbers = #tpu.dot_dimension_numbers<[1], [0], [0], [1], [0, 0, 1, 1], [], []>, transpose_lhs_hint = false} : vector<2000x128xf32>, vector<128x128xf32>, vector<2000x128xf32> -> vector<2000x128xf32>
    %get3A_16 = arith.constant 0 : index
    %get3A_17 = arith.constant 0 : index
    %get3A_18 = vector.load %arg4[%get3A_16, %get3A_17] : memref<1x128xf32, #tpu.memory_space<vmem>>, vector<1x128xf32>
    %add3A_19 = vector.broadcast %get3A_18 : vector<1x128xf32> to vector<2000x128xf32>
    %add3A_20 = arith.addf %dot_general3A_15, %add3A_19 : vector<2000x128xf32>
    %max3A = arith.constant 0.000000e+00 : f32
    %max3A_21 = vector.broadcast %max3A : f32 to vector<2000x128xf32>
    %max3A_22 = arith.maximumf %add3A_20, %max3A_21 : vector<2000x128xf32>
    %get3A_23 = arith.constant 0 : index
    %get3A_24 = arith.constant 0 : index
    %get3A_25 = vector.load %arg5[%get3A_23, %get3A_24] : memref<128x128xf32, #tpu.memory_space<vmem>>, vector<128x128xf32>
    %dot_general3A_26 = arith.constant dense<0.000000e+00> : vector<2000x128xf32>
    %dot_general3A_27 = tpu.matmul %max3A_22, %get3A_25, %dot_general3A_26 {dimension_numbers = #tpu.dot_dimension_numbers<[1], [0], [0], [1], [0, 0, 1, 1], [], []>, transpose_lhs_hint = false} : vector<2000x128xf32>, vector<128x128xf32>, vector<2000x128xf32> -> vector<2000x128xf32>
    %get3A_28 = arith.constant 0 : index
    %get3A_29 = arith.constant 0 : index
    %get3A_30 = vector.load %arg6[%get3A_28, %get3A_29] : memref<1x128xf32, #tpu.memory_space<vmem>>, vector<1x128xf32>
    %add3A_31 = vector.broadcast %get3A_30 : vector<1x128xf32> to vector<2000x128xf32>
    %add3A_32 = arith.addf %dot_general3A_27, %add3A_31 : vector<2000x128xf32>
    %reduce_max3A = arith.constant dense<0xFF800000> : vector<2000xf32>
    %reduce_max3A_33 = vector.multi_reduction <maximumf>, %add3A_32, %reduce_max3A [1] : vector<2000x128xf32> to vector<2000xf32>
    %broadcast_in_dim3A = vector.shape_cast %reduce_max3A_33 : vector<2000xf32> to vector<2000x1xf32>
    %sub3A = vector.broadcast %broadcast_in_dim3A : vector<2000x1xf32> to vector<2000x128xf32>
    %sub3A_34 = arith.subf %add3A_32, %sub3A : vector<2000x128xf32>
    %exp3A = math.exp %sub3A_34 : vector<2000x128xf32>
    %reduce_sum3A = arith.constant dense<0.000000e+00> : vector<2000xf32>
    %reduce_sum3A_35 = vector.multi_reduction <add>, %exp3A, %reduce_sum3A [1] : vector<2000x128xf32> to vector<2000xf32>
    %broadcast_in_dim3A_36 = vector.shape_cast %reduce_sum3A_35 : vector<2000xf32> to vector<2000x1xf32>
    %sub3A_37 = vector.broadcast %broadcast_in_dim3A : vector<2000x1xf32> to vector<2000x128xf32>
    %sub3A_38 = arith.subf %add3A_32, %sub3A_37 : vector<2000x128xf32>
    %log3A = math.log %broadcast_in_dim3A_36 : vector<2000x1xf32>
    %sub3A_39 = vector.broadcast %log3A : vector<2000x1xf32> to vector<2000x128xf32>
    %sub3A_40 = arith.subf %sub3A_38, %sub3A_39 : vector<2000x128xf32>
    %swap3A = arith.constant 0 : index
    %swap3A_41 = arith.constant 0 : index
    %swap3A_42 = vector.load %arg7[%swap3A, %swap3A_41] : memref<2000x128xf32, #tpu.memory_space<vmem>>, vector<2000x128xf32>
    tpu.vector_store %arg7[%swap3A, %swap3A_41], %sub3A_40 {strides = array<i32>} : memref<2000x128xf32, #tpu.memory_space<vmem>>, vector<2000x128xf32>,
    return
  }
  func.func @transform_0(%arg0: i32) -> (i32, i32) {
    %c0_i32 = arith.constant 0 : i32
    %c0_i32_0 = arith.constant 0 : i32
    return %arg0, %c0_i32 : i32, i32
  }
  func.func @transform_1(%arg0: i32) -> (i32, i32, i32) {
    %c0_i32 = arith.constant 0 : i32
    %c0_i32_0 = arith.constant 0 : i32
    %c0_i32_1 = arith.constant 0 : i32
    return %c0_i32, %arg0, %c0_i32_0 : i32, i32, i32
  }
  func.func @transform_2(%arg0: i32) -> (i32, i32) {
    %c0_i32 = arith.constant 0 : i32
    %c0_i32_0 = arith.constant 0 : i32
    %c0_i32_1 = arith.constant 0 : i32
    return %c0_i32, %c0_i32_0 : i32, i32
  }
  func.func @transform_3(%arg0: i32) -> (i32, i32) {
    %c0_i32 = arith.constant 0 : i32
    %c0_i32_0 = arith.constant 0 : i32
    %c0_i32_1 = arith.constant 0 : i32
    return %c0_i32, %c0_i32_0 : i32, i32
  }
  func.func @transform_4(%arg0: i32) -> (i32, i32) {
    %c0_i32 = arith.constant 0 : i32
    %c0_i32_0 = arith.constant 0 : i32
    %c0_i32_1 = arith.constant 0 : i32
    return %c0_i32, %c0_i32_0 : i32, i32
  }
  func.func @transform_5(%arg0: i32) -> (i32, i32) {
    %c0_i32 = arith.constant 0 : i32
    %c0_i32_0 = arith.constant 0 : i32
    %c0_i32_1 = arith.constant 0 : i32
    return %c0_i32, %c0_i32_0 : i32, i32
  }
  func.func @transform_6(%arg0: i32) -> (i32, i32) {
    %c0_i32 = arith.constant 0 : i32
    %c0_i32_0 = arith.constant 0 : i32
    return %arg0, %c0_i32 : i32, i32
  }
}

</mosaic_0001>

<sc_bundles>
// kernel: kernel.6.cloned.1.call-start
scs
__scs_entry_jumppad:
0x0: {  	(pc) =	sbr.rel $0x88, $3  }
0x1: {  	(tag) =	ssettag $0x0;
	lr =	simm.s32 $0x1  }
0x2: {  	[smem:$0x3F97] =	sst lr;
	_ =	strace $0xD0000000  }
0x3: {  	_ = 	snop  }
0x4: {  	_ = 	snop  }
0x5: {  	_ = 	snop  }
0x6: {  	_ = 	snop  }
0x7: {  	_ = 	snop  }
__scs_overlays_trampoline_lowered:
0x8: {  	[smem:$0x3FA6] =	sst s0  }
0x9: {  	[smem:$0x3FA7] =	sst s1  }
0xa: {  	[smem:$0x3FA8] =	sst s2  }
0xb: {  	[smem:$0x3FA9] =	sst s3  }
0xc: {  	[smem:$0x3FAA] =	sst s4  }
0xd: {  	[smem:$0x3FAB] =	sst s5  }
0xe: {  	[smem:$0x3FAC] =	sst s6  }
0xf: {  	[smem:$0x3FAD] =	sst s7  }
0x10: {  	[smem:$0x3FAE] =	sst s8  }
0x11: {  	[smem:$0x3FAF] =	sst s9;
	s0 =	simm.s32 @!p0 $0x0  }
0x12: {  	s1 =	sld [smem:$0x3F95];
	s0 =	simm.s32 @p0 $0x1  }
0x13: {  	[smem:$0x3FB0] =	sst s0;
	s0 =	simm.s32 @!p1 $0x0  }
0x14: {  	s2 =	sld [smem:$0x3F94];
	s0 =	simm.s32 @p1 $0x1  }
0x15: {  	[smem:$0x3FB1] =	sst s0;
	s0 =	simm.s32 @!p2 $0x0  }
0x16: {  	s3 =	sld [smem:$0x3FDB];
	s0 =	simm.s32 @p2 $0x1  }
0x17: {  	s4 =	simm.s32 $0x1BF5;
	[smem:$0x3FB3] =	sst s0  }
0x18: {  	s0 =	sld [smem:$0x3F96];
	_ =	swait.ge [sflag:s4], $0x0  }
0x19: {  	s7 =	sld [smem:$0x3F97]  }
0x1a: {  	s8 =	sadd.s32 $0xFFFFE003, lr  }
0x1b: {  	s9 =	sadd.s32 $0xFFFFFEF7, lr;
	s5 =	simm.s32 $0xFFFFFFFF;
	p2 =	slt.u32 s8, $0xFFFFF086  }
0x1c: {  	p1 =	slt.u32 s9, $0xF7A;
	s5 =	simm.s32 @!p2 $0x0  }
0x1d: {  	s5 =	simm.s32 @p1 $0x1;
	p0 =	seq.s32 s7, s2  }
0x1e: {  	s7 =	smul.u32 @!p0 $0xF7A, s2;
	p2 =	seq.s32 @!p0 s5, $0x0  }
0x1f: {  	s9 =	smul.u32 $0xF7A, s1;
	s8 =	simm.s32 @!p0 $0x1BF5;
	p2 =	por !p2, p0  }
0x20: {  	[sflag:s8] =	ssyncset.s32 @!p0 $0xFFFFF086;
	s6 =	sadd.s32 @!p0 s3, s7;
	s7 =	simm.s32 @!p0 $0x108  }
0x21: {  	s3 =	sadd.s32 s3, s9;
	s6 =	sadd.s32 @!p0 $0x88, s6;
	s7 =	simm.s32 @p2 $0x1082  }
0x22: {  	[simem:s7], [sflag:s8] =	dma.local @!p0 [hbm:s6], $0xF7A  }
0x23: {  	s9 =	sor.u32 $0xD0000000, s2;
	s6 =	simm.s32 $0x108;
	_ =	swait.ge @!p0 [sflag:s8], $0x0  }
0x24: {  	s3 =	sadd.s32 $0x88, s3;
	s6 =	simm.s32 @!p1 $0x1082;
	[sflag:s4] =	ssyncset.s32 $0xFFFFF086  }
0x25: {  	[simem:s6], [sflag:s4] =	dma.local [hbm:s3], $0xF7A  }
0x26: {  	[smem:$0x3F97] =	sst s1;
	(tag) =	ssettag s2;
	_ =	strace s9  }
0x27: {  	s1 =	sld [smem:$0x3FA7]  }
0x28: {  	s2 =	sld [smem:$0x3FA8]  }
0x29: {  	s4 =	sld [smem:$0x3FAA]  }
0x2a: {  	p0 =	seq.s32 s5, $0x0;
	s5 =	sld [smem:$0x3FAB]  }
0x2b: {  	s6 =	sld [smem:$0x3FAC]  }
0x2c: {  	s7 =	sld [smem:$0x3FAD]  }
0x2d: {  	s3 =	simm.s32 $0x108;
	s8 =	sld [smem:$0x3FAE]  }
0x2e: {  	s3 =	simm.s32 @!p0 $0x1082;
	s9 =	sld [smem:$0x3FAF]  }
0x2f: {  	lr =	sadd.s32 s0, s3;
	s0 =	sld [smem:$0x3FA6]  }
0x30: {  	s3 =	sld [smem:$0x3FA9]  }
0x31: {  	[smem:$0x3FB2] =	sst s10  }
0x32: {  	s10 =	sld [smem:$0x3FB0];
	_ =	sdelay $0x3  }
0x33: {  	p0 =	seq.s32 s10, $0x1;
	s10 =	sld [smem:$0x3FB2];
	_ =	sdelay $0x3  }
0x34: {  	[smem:$0x3FB2] =	sst s10  }
0x35: {  	s10 =	sld [smem:$0x3FB1];
	_ =	sdelay $0x3  }
0x36: {  	p1 =	seq.s32 s10, $0x1;
	s10 =	sld [smem:$0x3FB2];
	_ =	sdelay $0x3  }
0x37: {  	[smem:$0x3FB2] =	sst s10  }
0x38: {  	s10 =	sld [smem:$0x3FB3]  }
0x39: {  	_ = 	snop;
	(pc) =	sbr.ind lr, $3  }
0x3a: {  	_ = 	snop  }
0x3b: {  	_ = 	snop  }
0x3c: {  	p2 =	seq.s32 s10, $0x1;
	s10 =	sld [smem:$0x3FB2]  }
0x3d: {  	_ =	shalt  }
0x3e: {  	_ =	shalt  }
0x3f: {  	_ =	shalt  }
0x40: {  	_ =	shalt  }
0x41: {  	_ =	shalt  }
0x42: {  	_ =	shalt  }
0x43: {  	_ =	shalt  }
0x44: {  	_ =	shalt  }
0x45: {  	_ =	shalt  }
0x46: {  	_ =	shalt  }
0x47: {  	_ =	shalt  }
0x48: {  	_ =	shalt  }
0x49: {  	_ =	shalt  }
0x4a: {  	_ =	shalt  }
0x4b: {  	_ =	shalt  }
0x4c: {  	_ =	shalt  }
0x4d: {  	_ =	shalt  }
0x4e: {  	_ =	shalt  }
0x4f: {  	_ =	shalt  }
0x50: {  	_ =	shalt  }
0x51: {  	_ =	shalt  }
0x52: {  	_ =	shalt  }
0x53: {  	_ =	shalt  }
0x54: {  	_ =	shalt  }
0x55: {  	_ =	shalt  }
0x56: {  	_ =	shalt  }
0x57: {  	_ =	shalt  }
0x58: {  	_ =	shalt  }
0x59: {  	_ =	shalt  }
0x5a: {  	_ =	shalt  }
0x5b: {  	_ =	shalt  }
0x5c: {  	_ =	shalt  }
0x5d: {  	_ =	shalt  }
0x5e: {  	_ =	shalt  }
0x5f: {  	_ =	shalt  }
0x60: {  	_ =	shalt  }
0x61: {  	_ =	shalt  }
0x62: {  	_ =	shalt  }
0x63: {  	_ =	shalt  }
0x64: {  	_ =	shalt  }
0x65: {  	_ =	shalt  }
0x66: {  	_ =	shalt  }
0x67: {  	_ =	shalt  }
0x68: {  	_ =	shalt  }
0x69: {  	_ =	shalt  }
0x6a: {  	_ =	shalt  }
0x6b: {  	_ =	shalt  }
0x6c: {  	_ =	shalt  }
0x6d: {  	_ =	shalt  }
0x6e: {  	_ =	shalt  }
0x6f: {  	_ =	shalt  }
0x70: {  	_ =	shalt  }
0x71: {  	_ =	shalt  }
0x72: {  	_ =	shalt  }
0x73: {  	_ =	shalt  }
0x74: {  	_ =	shalt  }
0x75: {  	_ =	shalt  }
0x76: {  	_ =	shalt  }
0x77: {  	_ =	shalt  }
0x78: {  	_ =	shalt  }
0x79: {  	_ =	shalt  }
0x7a: {  	_ =	shalt  }
0x7b: {  	_ =	shalt  }
0x7c: {  	_ =	shalt  }
0x7d: {  	_ =	shalt  }
0x7e: {  	_ =	shalt  }
0x7f: {  	_ =	shalt  }
0x80: {  	_ =	shalt  }
0x81: {  	_ =	shalt  }
0x82: {  	_ =	shalt  }
0x83: {  	_ =	shalt  }
0x84: {  	_ =	shalt  }
0x85: {  	_ =	shalt  }
0x86: {  	_ =	shalt  }
0x87: {  	_ =	shalt  }
.Lfunc_end0:
.L_simem_size_0:
called_computation_lowered:
.L_overlay_start_0:
0x88: {  	s2 =	sld [smem:$0x3FD9]  }
0x89: {  	s3 =	sld [smem:$0x3FFE];
	_ =	sdelay $0x1  }
0x8a: {  	s1 =	srdreg.scid  }
0x8b: {  	s0 =	sand.u32 $0x1, s1  }
0x8c: {  	s17 =	sshll.u32 s0, $0xA;
	s2 =	sadd.s32 s3, s2  }
0x8d: {  	s2 =	sadd.s32 s2, s17  }
0x8e: {  	[smem:$0x3FBE] =	sst s2  }
0x8f: {  	_ = 	snop  }
0x90: {  	s2 =	sld [smem:$0x3FC9]  }
0x91: {  	s18 =	sld [smem:$0x3FD0];
	(tm) =	ssettm $0x1  }
0x92: {  	s4 =	sld [smem:$0x3FFB];
	_ =	sdelay $0x3  }
0x93: {  	_ =	strace s4  }
0x94: {  	s4 =	sld [smem:$0x3FFC];
	_ =	sdelay $0x3  }
0x95: {  	_ =	strace s4  }
0x96: {  	s4 =	sld [smem:$0x3FFD];
	_ =	sdelay $0x3  }
0x97: {  	_ =	strace s4  }
0x98: {  	_ =	strace $0x8FFFFFFF  }
0x99: {  	s19 =	sld [smem:$0x3FDB];
	_ =	sdelay $0x1  }
0x9a: {  	s5 =	simm.s32 $_scs_section_size  }
0x9b: {  	s6 =	simm.s32 $_size__tile_overlayer_lowered;
	s7 =	simm.s32 $_tile_overlayer_lowered  }
0x9c: {  	s22 =	simm.s32 $0x1BFF;
	s21 =	sshll.u32 s7, $0x1;
	s4 =	sadd.s32 s5, s19  }
0x9d: {  	s8 =	simm.s32 $0x0;
	s20 =	sshll.u32 s6, $0x1;
	s6 =	sadd.s32 s21, s4  }
0x9e: {  	[timem:s8], [sflag:s22] =	dma.local [hbm:s6], s20  }
0x9f: {  	_ =	swait.ge [sflag:s22], s20  }
0xa0: {  	s5 =	ssub.s32 $0x0, s20;
	[sflag:s22] =	ssyncset.done $0x0  }
0xa1: {  	[sflag:s22] =	ssyncadd.s32 s5;
	_ =	sdelay $0x1  }
0xa2: {  	s23 =	simm.s32 $0x1B8B  }
0xa3: {  	_ =	swait.ge [sflag:s23], $0x1  }
0xa4: {  	[sflag:s23] =	ssyncset.done $0x0  }
0xa5: {  	s25 =	simm.s32 $0x1B8E;
	s24 =	sld [smem:$0x3FFE];
	[sflag:s23] =	ssyncadd.s32 $0xFFFFFFFF  }
0xa6: {  	s26 =	simm.s32 $execute0_lowered;
	[smem:$0x3FD2] =	sst s25  }
0xa7: {  	s6 =	sshll.u32 s26, $0x1;
	_ =	strace $0x80000046;
	[dreg:$0x1] =	wrdreg $0xFFFFFFFF  }
0xa8: {  	s28 =	simm.s32 $_size_execute0_lowered;
	s4 =	sadd.s32 s4, s6;
	[dreg:$0x0] =	wrdreg $0x0  }
0xa9: {  	s6 =	sshll.u32 s28, $0x1;
	[dreg:$0x2] =	wrdreg s4  }
0xaa: {  	[dreg:$0x3] =	wrdreg s6  }
0xab: {  	[dreg:$0x4] =	wrdreg $0xC0  }
0xac: {  	_ =	task [dreg:s8], $0x5FFFF  }
0xad: {  	[dreg:$0x1] =	wrdreg $0xFFFFFFFF  }
0xae: {  	[dreg:$0x0] =	wrdreg $0x60  }
0xaf: {  	[dreg:$0x2] =	wrdreg s2  }
0xb0: {  	[dreg:$0x3] =	wrdreg s24  }
0xb1: {  	[dreg:$0x4] =	wrdreg s18  }
0xb2: {  	[dreg:$0x5] =	wrdreg $0x11F800  }
0xb3: {  	[dreg:$0x6] =	wrdreg $0x9  }
0xb4: {  	_ =	task.clear_ibuf [dreg:s8], $0x7FFFF;
	_ =	strace $0x90000046  }
0xb5: {  	s29 =	simm.s32 $0x9;
	_ =	strace $0x80000048  }
0xb6: {  	_ =	swait.ge [sflag:s29], $0x1  }
0xb7: {  	[sflag:s29] =	ssyncadd.s32 $0xFFFFFFFF  }
0xb8: {  	_ =	strace $0x90000048  }
0xb9: {  	_ =	sfence  }
0xba: {  	s30 =	sld [smem:$0x0];
	_ =	sdelay $0x2  }
0xbb: {  	s31 =	sshll.u32 s1, $0xD;
	s1 =	sshrl.u32 s1, $0x2  }
0xbc: {  	s3 =	sand.u32 $0x4000, s31;
	s1 =	sadd.s32 s1, s30  }
0xbd: {  	s0 =	sor.u32 s3, s0;
	s1 =	sshll.u32 s1, $0x11  }
0xbe: {  	s0 =	sor.u32 s1, s0  }
0xbf: {  	s0 =	sadd.s32 $0x8F2B, s0  }
0xc0: {  	[sflag:s0] =	ssyncadd.remote.s32 $0x1  }
0xc1: {  	_ =	sfence.sel $0xFFFF  }
0xc2: {  	[dreg:$0x0] =	wrdreg $0xFFFFFFFF;
	(pc) =	sbr.abs _section_cstart, $3  }
0xc3: {  	[dreg:$0x1] =	wrdreg $0xFFFFFFFF  }
0xc4: {  	_ =	task.clear_ibuf [dreg:s8], $0x2FFFF;
	_ =	strace $0x9FFFFFFF  }
0xc5: {  	(tm) =	ssettm $0x7FFFFFFF  }
tec
execute0_lowered:
.L_overlay_start_1:
0x0: {  	(tag) =	ssettag $0x1  }
0x1: {  	s1 =	rddreg [dreg:$0x0]  }
0x2: {  	s0 =	rddreg [dreg:$0x1]  }
0x3: {  	s2 =	srdreg.scid;
	s9 =	rddreg [dreg:$0x2]  }
0x4: {  	s13 =	stileid.u32;
	s3 =	rddreg [dreg:$0x3];
	s4 =	simm.s32 $0x0  }
0x5: {  	s14 =	simm.s32 $0x64;
	s15 =	simm.s32 $0xA280;
	s17 =	simm.s32 $0xBB80  }
0x6: {  	s19 =	simm.s32 $0xD480;
	s21 =	simm.s32 $0xED80;
	s28 =	simm.s32 $0x2  }
0x7: {  	s30 =	simm.s32 $0x7;
	s16 =	simm.s32 $0x8;
	s20 =	simm.s32 $0x4  }
0x8: {  	s31 =	simm.s32 $0x5;
	s18 =	simm.s32 $0xA;
	s5 =	smul.u32 $0x5140, s13  }
0x9: {  	s22 =	simm.s32 $0x0;
	s2 =	sand.u32 $0x1, s2;
	s7 =	smul.u32 $0x27100, s13  }
0xa: {  	[smem:$0x7FF] =	sst s4;
	s11 =	smul.u32 $0x9C40, s13;
	s26 =	sshll.u32 s13, $0x6  }
0xb: {  	s13 =	simm.s32 $0x5140;
	s6 =	smul.u32 $0x51400, s2;
	s23 =	ssub.s32 $0x2, s2  }
0xc: {  	_ =	strace $0x80000047;
	s2 =	smul.u32 $0x9C400, s2;
	s10 =	sshrl.u32 s23, $0x1  }
0xd: {  	s25 =	sshrl.u32 s7, $0x2;
	s6 =	sadd.s32 s5, s6;
	s5 =	sshrl.u32 s5, $0x3  }
0xe: {  	s24 =	ssub.s32 s23, s10;
	s2 =	sadd.s32 s11, s2;
	s29 =	sadd.s32 s25, s3  }
0xf: {  	s23 =	simm.s32 $0x10680;
	s25 =	simm.s32 $0x6;
	s6 =	sshrl.u32 s6, $0x3  }
0x10: {  	s12 =	sadd.s32 s5, s0;
	s2 =	sshrl.u32 s2, $0x3;
	s10 =	smax.u32 s24, $0x1  }
0x11: {  	s11 =	sshrl.u32 s29, $0x3;
	s24 =	simm.s32 $0x1;
	s8 =	sadd.s32 s6, s0  }
0x12: {  	s0 =	sadd.s32 $0x20600, s0;
	s6 =	sor.u32 $0x1C0B, s26;
	s9 =	sadd.s32 s9, s2  }
0x13: {  	s2 =	simm.s32 $0x3;
	s26 =	simm.s32 $0x9;
	[dreg:$0x5] =	wrdreg s0  }
0x14: {  	s7 =	sadd.s32 $0xC000, s8;
	s8 =	sadd.s32 $0x1C00, s12;
	s12 =	simm.s32 $0xB  }
.LBB2_1:
0x15: {  	s0 =	rddreg [dreg:$0x5]  }
0x16: {  	[spmem:s11], [sflag:s6] =	dma.local [hbm:s0], $0x1388  }
0x17: {  	_ =	swait.ge [sflag:s12], $0x1388  }
0x18: {  	[sflag:s12] =	ssyncset.done $0x0  }
0x19: {  	[sflag:s12] =	ssyncadd.s32 $0xFFFFEC78  }
0x1a: {  	[tilespmem:s4], [sflag:$0xB] =	stream.linear.gather [hbm4b:s7+s4], $0x5140, $0x38;
	[tilespmem:$0x1BBC0] =	vst v63  }
0x1b: {  	_ =	swait.ge [sflag:s12], $0x5140  }
0x1c: {  	[sflag:s12] =	ssyncset.done $0x0  }
0x1d: {  	[sflag:s12] =	ssyncadd.s32 $0xFFFFAEC0  }
0x1e: {  	[tilespmem:s13], [sflag:$0xB] =	stream.linear.gather [hbm4b:s8+s4], $0x5140, $0x38;
	[tilespmem:$0x1BBC0] =	vst v63  }
0x1f: {  	_ =	swait.ge [sflag:s12], $0x5140  }
0x20: {  	[sflag:s12] =	ssyncset.done $0x0  }
0x21: {  	[sflag:s12] =	ssyncadd.s32 $0xFFFFAEC0  }
0x22: {  	[bflag:$0x0] =	sbarrier.arrive $0xFFFF  }
0x23: {  	[tilespmem:s15], [sflag:$0x1] =	stream.indirect.gather [hbm4b:s1+s14], $0x40, s4, s14, $0xb8;
	[tilespmem:$0x1BBC0] =	vst v63  }
0x24: {  	s5 =	simm.s32 $0x68  }
0x25: {  	[tilespmem:s17], [sflag:$0x2] =	stream.indirect.gather [hbm4b:s1+s14], $0x40, s5, s14, $0xb8;
	[tilespmem:$0x1BBC0] =	vst v63  }
0x26: {  	s5 =	simm.s32 $0xD0  }
0x27: {  	[tilespmem:s19], [sflag:$0x3] =	stream.indirect.gather [hbm4b:s1+s14], $0x40, s5, s14, $0xb8;
	[tilespmem:$0x1BBC0] =	vst v63  }
0x28: {  	s5 =	simm.s32 $0x138  }
0x29: {  	[tilespmem:s21], [sflag:$0x4] =	stream.indirect.gather [hbm4b:s1+s14], $0x40, s5, s14, $0xb8;
	[tilespmem:$0x1BBC0] =	vst v63  }
0x2a: {  	s5 =	simm.s32 $0x1A0  }
0x2b: {  	[tilespmem:s23], [sflag:$0x5] =	stream.indirect.gather [hbm4b:s1+s14], $0x40, s5, s14, $0xb8;
	[tilespmem:$0x1BBC0] =	vst v63  }
0x2c: {  	_ =	swait.ge [sflag:s24], $0x1900  }
0x2d: {  	[sflag:s24] =	ssyncset.done $0x0  }
0x2e: {  	[sflag:s24] =	ssyncadd.s32 $0xFFFFE700  }
0x2f: {  	[spmem:s3] =	stream.indirect.scatter.add.f32 [tilespmem:s15], [sflag:$0x6], $0x40, s13, s14, $0xb8;
	[tilespmem:$0x1BBC0] =	vst v63  }
0x30: {  	_ =	swait.ge [sflag:s25], $0x1900  }
0x31: {  	[sflag:s25] =	ssyncset.done $0x0  }
0x32: {  	s5 =	simm.s32 $0x208;
	[sflag:s25] =	ssyncadd.s32 $0xFFFFE700  }
0x33: {  	[tilespmem:s15], [sflag:$0x1] =	stream.indirect.gather [hbm4b:s1+s14], $0x40, s5, s14, $0xb8;
	[tilespmem:$0x1BBC0] =	vst v63  }
0x34: {  	_ =	swait.ge [sflag:s28], $0x1900  }
0x35: {  	[sflag:s28] =	ssyncset.done $0x0  }
0x36: {  	s5 =	simm.s32 $0x51A8;
	[sflag:s28] =	ssyncadd.s32 $0xFFFFE700  }
0x37: {  	[spmem:s3] =	stream.indirect.scatter.add.f32 [tilespmem:s17], [sflag:$0x7], $0x40, s5, s14, $0xb8;
	[tilespmem:$0x1BBC0] =	vst v63  }
0x38: {  	_ =	swait.ge [sflag:s30], $0x1900  }
0x39: {  	[sflag:s30] =	ssyncset.done $0x0  }
0x3a: {  	s5 =	simm.s32 $0x270;
	[sflag:s30] =	ssyncadd.s32 $0xFFFFE700  }
0x3b: {  	[tilespmem:s17], [sflag:$0x2] =	stream.indirect.gather [hbm4b:s1+s14], $0x40, s5, s14, $0xb8;
	[tilespmem:$0x1BBC0] =	vst v63  }
0x3c: {  	_ =	swait.ge [sflag:s2], $0x1900  }
0x3d: {  	[sflag:s2] =	ssyncset.done $0x0  }
0x3e: {  	s5 =	simm.s32 $0x5210;
	[sflag:s2] =	ssyncadd.s32 $0xFFFFE700  }
0x3f: {  	[spmem:s3] =	stream.indirect.scatter.add.f32 [tilespmem:s19], [sflag:$0x8], $0x40, s5, s14, $0xb8;
	[tilespmem:$0x1BBC0] =	vst v63  }
0x40: {  	_ =	swait.ge [sflag:s16], $0x1900  }
0x41: {  	[sflag:s16] =	ssyncset.done $0x0  }
0x42: {  	s5 =	simm.s32 $0x2D8;
	[sflag:s16] =	ssyncadd.s32 $0xFFFFE700  }
0x43: {  	[tilespmem:s19], [sflag:$0x3] =	stream.indirect.gather [hbm4b:s1+s14], $0x40, s5, s14, $0xb8;
	[tilespmem:$0x1BBC0] =	vst v63  }
0x44: {  	_ =	swait.ge [sflag:s20], $0x1900  }
0x45: {  	[sflag:s20] =	ssyncset.done $0x0  }
0x46: {  	s5 =	simm.s32 $0x5278;
	[sflag:s20] =	ssyncadd.s32 $0xFFFFE700  }
0x47: {  	[spmem:s3] =	stream.indirect.scatter.add.f32 [tilespmem:s21], [sflag:$0x9], $0x40, s5, s14, $0xb8;
	[tilespmem:$0x1BBC0] =	vst v63  }
0x48: {  	_ =	swait.ge [sflag:s26], $0x1900  }
0x49: {  	[sflag:s26] =	ssyncset.done $0x0  }
0x4a: {  	s5 =	simm.s32 $0x340;
	[sflag:s26] =	ssyncadd.s32 $0xFFFFE700  }
0x4b: {  	[tilespmem:s21], [sflag:$0x4] =	stream.indirect.gather [hbm4b:s1+s14], $0x40, s5, s14, $0xb8;
	[tilespmem:$0x1BBC0] =	vst v63  }
0x4c: {  	_ =	swait.ge [sflag:s31], $0x1900  }
0x4d: {  	[sflag:s31] =	ssyncset.done $0x0  }
0x4e: {  	s5 =	simm.s32 $0x52E0;
	[sflag:s31] =	ssyncadd.s32 $0xFFFFE700  }
0x4f: {  	[spmem:s3] =	stream.indirect.scatter.add.f32 [tilespmem:s23], [sflag:$0xA], $0x40, s5, s14, $0xb8;
	[tilespmem:$0x1BBC0] =	vst v63  }
0x50: {  	_ =	swait.ge [sflag:s18], $0x1900  }
0x51: {  	[sflag:s18] =	ssyncset.done $0x0  }
0x52: {  	s5 =	simm.s32 $0x3A8;
	[sflag:s18] =	ssyncadd.s32 $0xFFFFE700  }
0x53: {  	[tilespmem:s23], [sflag:$0x5] =	stream.indirect.gather [hbm4b:s1+s14], $0x40, s5, s14, $0xb8;
	[tilespmem:$0x1BBC0] =	vst v63  }
0x54: {  	_ =	swait.ge [sflag:s24], $0x1900  }
0x55: {  	[sflag:s24] =	ssyncset.done $0x0  }
0x56: {  	s5 =	simm.s32 $0x5348;
	[sflag:s24] =	ssyncadd.s32 $0xFFFFE700  }
0x57: {  	[spmem:s3] =	stream.indirect.scatter.add.f32 [tilespmem:s15], [sflag:$0x6], $0x40, s5, s14, $0xb8;
	[tilespmem:$0x1BBC0] =	vst v63  }
0x58: {  	_ =	swait.ge [sflag:s25], $0x1900  }
0x59: {  	[sflag:s25] =	ssyncset.done $0x0  }
0x5a: {  	s5 =	simm.s32 $0x410;
	[sflag:s25] =	ssyncadd.s32 $0xFFFFE700  }
0x5b: {  	[tilespmem:s15], [sflag:$0x1] =	stream.indirect.gather [hbm4b:s1+s14], $0x40, s5, s14, $0xb8;
	[tilespmem:$0x1BBC0] =	vst v63  }
0x5c: {  	_ =	swait.ge [sflag:s28], $0x1900  }
0x5d: {  	[sflag:s28] =	ssyncset.done $0x0  }
0x5e: {  	s5 =	simm.s32 $0x53B0;
	[sflag:s28] =	ssyncadd.s32 $0xFFFFE700  }
0x5f: {  	[spmem:s3] =	stream.indirect.scatter.add.f32 [tilespmem:s17], [sflag:$0x7], $0x40, s5, s14, $0xb8;
	[tilespmem:$0x1BBC0] =	vst v63  }
0x60: {  	_ =	swait.ge [sflag:s30], $0x1900  }
0x61: {  	[sflag:s30] =	ssyncset.done $0x0  }
0x62: {  	s5 =	simm.s32 $0x478;
	[sflag:s30] =	ssyncadd.s32 $0xFFFFE700  }
0x63: {  	[tilespmem:s17], [sflag:$0x2] =	stream.indirect.gather [hbm4b:s1+s14], $0x40, s5, s14, $0xb8;
	[tilespmem:$0x1BBC0] =	vst v63  }
0x64: {  	_ =	swait.ge [sflag:s2], $0x1900  }
0x65: {  	[sflag:s2] =	ssyncset.done $0x0  }
0x66: {  	s5 =	simm.s32 $0x5418;
	[sflag:s2] =	ssyncadd.s32 $0xFFFFE700  }
0x67: {  	[spmem:s3] =	stream.indirect.scatter.add.f32 [tilespmem:s19], [sflag:$0x8], $0x40, s5, s14, $0xb8;
	[tilespmem:$0x1BBC0] =	vst v63  }
0x68: {  	_ =	swait.ge [sflag:s16], $0x1900  }
0x69: {  	[sflag:s16] =	ssyncset.done $0x0  }
0x6a: {  	s5 =	simm.s32 $0x4E0;
	[sflag:s16] =	ssyncadd.s32 $0xFFFFE700  }
0x6b: {  	[tilespmem:s19], [sflag:$0x3] =	stream.indirect.gather [hbm4b:s1+s14], $0x40, s5, s14, $0xb8;
	[tilespmem:$0x1BBC0] =	vst v63  }
0x6c: {  	_ =	swait.ge [sflag:s20], $0x1900  }
0x6d: {  	[sflag:s20] =	ssyncset.done $0x0  }
0x6e: {  	s5 =	simm.s32 $0x5480;
	[sflag:s20] =	ssyncadd.s32 $0xFFFFE700  }
0x6f: {  	[spmem:s3] =	stream.indirect.scatter.add.f32 [tilespmem:s21], [sflag:$0x9], $0x40, s5, s14, $0xb8;
	[tilespmem:$0x1BBC0] =	vst v63  }
0x70: {  	_ =	swait.ge [sflag:s26], $0x1900  }
0x71: {  	[sflag:s26] =	ssyncset.done $0x0  }
0x72: {  	s5 =	simm.s32 $0x548;
	[sflag:s26] =	ssyncadd.s32 $0xFFFFE700  }
0x73: {  	[tilespmem:s21], [sflag:$0x4] =	stream.indirect.gather [hbm4b:s1+s14], $0x40, s5, s14, $0xb8;
	[tilespmem:$0x1BBC0] =	vst v63  }
0x74: {  	_ =	swait.ge [sflag:s31], $0x1900  }
0x75: {  	[sflag:s31] =	ssyncset.done $0x0  }
0x76: {  	s29 =	simm.s32 $0x820;
	s0 =	simm.s32 $0x54E8;
	[sflag:s31] =	ssyncadd.s32 $0xFFFFE700  }
.LBB2_2:
0x77: {  	[spmem:s3] =	stream.indirect.scatter.add.f32 [tilespmem:s23], [sflag:$0xA], $0x40, s0, s14, $0xb8;
	[tilespmem:$0x1BBC0] =	vst v63  }
0x78: {  	s0 =	smov.u32 s29;
	s29 =	sadd.s32 $0x820, s29;
	_ =	swait.ge [sflag:s18], $0x1900  }
0x79: {  	s0 =	sshra.s32 s0, $0x2;
	p0 =	sne.s32 s29, $0x134C0;
	[sflag:s18] =	ssyncset.done $0x0  }
0x7a: {  	s5 =	sadd.s32 $0x3A8, s0;
	[sflag:s18] =	ssyncadd.s32 $0xFFFFE700  }
0x7b: {  	[tilespmem:s23], [sflag:$0x5] =	stream.indirect.gather [hbm4b:s1+s14], $0x40, s5, s14, $0xb8;
	[tilespmem:$0x1BBC0] =	vst v63  }
0x7c: {  	_ =	swait.ge [sflag:s24], $0x1900  }
0x7d: {  	[sflag:s24] =	ssyncset.done $0x0  }
0x7e: {  	s5 =	sadd.s32 $0x5348, s0;
	[sflag:s24] =	ssyncadd.s32 $0xFFFFE700  }
0x7f: {  	[spmem:s3] =	stream.indirect.scatter.add.f32 [tilespmem:s15], [sflag:$0x6], $0x40, s5, s14, $0xb8;
	[tilespmem:$0x1BBC0] =	vst v63  }
0x80: {  	_ =	swait.ge [sflag:s25], $0x1900  }
0x81: {  	[sflag:s25] =	ssyncset.done $0x0  }
0x82: {  	s5 =	sadd.s32 $0x410, s0;
	[sflag:s25] =	ssyncadd.s32 $0xFFFFE700  }
0x83: {  	[tilespmem:s15], [sflag:$0x1] =	stream.indirect.gather [hbm4b:s1+s14], $0x40, s5, s14, $0xb8;
	[tilespmem:$0x1BBC0] =	vst v63  }
0x84: {  	_ =	swait.ge [sflag:s28], $0x1900  }
0x85: {  	[sflag:s28] =	ssyncset.done $0x0  }
0x86: {  	s5 =	sadd.s32 $0x53B0, s0;
	[sflag:s28] =	ssyncadd.s32 $0xFFFFE700  }
0x87: {  	[spmem:s3] =	stream.indirect.scatter.add.f32 [tilespmem:s17], [sflag:$0x7], $0x40, s5, s14, $0xb8;
	[tilespmem:$0x1BBC0] =	vst v63  }
0x88: {  	_ =	swait.ge [sflag:s30], $0x1900  }
0x89: {  	[sflag:s30] =	ssyncset.done $0x0  }
0x8a: {  	s5 =	sadd.s32 $0x478, s0;
	[sflag:s30] =	ssyncadd.s32 $0xFFFFE700  }
0x8b: {  	[tilespmem:s17], [sflag:$0x2] =	stream.indirect.gather [hbm4b:s1+s14], $0x40, s5, s14, $0xb8;
	[tilespmem:$0x1BBC0] =	vst v63  }
0x8c: {  	_ =	swait.ge [sflag:s2], $0x1900  }
0x8d: {  	[sflag:s2] =	ssyncset.done $0x0  }
0x8e: {  	s5 =	sadd.s32 $0x5418, s0;
	[sflag:s2] =	ssyncadd.s32 $0xFFFFE700  }
0x8f: {  	[spmem:s3] =	stream.indirect.scatter.add.f32 [tilespmem:s19], [sflag:$0x8], $0x40, s5, s14, $0xb8;
	[tilespmem:$0x1BBC0] =	vst v63  }
0x90: {  	_ =	swait.ge [sflag:s16], $0x1900  }
0x91: {  	[sflag:s16] =	ssyncset.done $0x0  }
0x92: {  	s5 =	sadd.s32 $0x4E0, s0;
	[sflag:s16] =	ssyncadd.s32 $0xFFFFE700  }
0x93: {  	[tilespmem:s19], [sflag:$0x3] =	stream.indirect.gather [hbm4b:s1+s14], $0x40, s5, s14, $0xb8;
	[tilespmem:$0x1BBC0] =	vst v63  }
0x94: {  	_ =	swait.ge [sflag:s20], $0x1900  }
0x95: {  	[sflag:s20] =	ssyncset.done $0x0  }
0x96: {  	s5 =	sadd.s32 $0x5480, s0;
	[sflag:s20] =	ssyncadd.s32 $0xFFFFE700  }
0x97: {  	[spmem:s3] =	stream.indirect.scatter.add.f32 [tilespmem:s21], [sflag:$0x9], $0x40, s5, s14, $0xb8;
	[tilespmem:$0x1BBC0] =	vst v63  }
0x98: {  	_ =	swait.ge [sflag:s26], $0x1900  }
0x99: {  	[sflag:s26] =	ssyncset.done $0x0  }
.Ltmp0:
0x9a: {  	s5 =	sadd.s32 $0x548, s0;
	[sflag:s26] =	ssyncadd.s32 $0xFFFFE700;
	(pc) =	sbr.rel @p0 .LBB2_2-.Ltmp0, $4  }
0x9b: {  	[tilespmem:s21], [sflag:$0x4] =	stream.indirect.gather [hbm4b:s1+s14], $0x40, s5, s14, $0xb8;
	[tilespmem:$0x1BBC0] =	vst v63  }
0x9c: {  	_ =	swait.ge [sflag:s31], $0x1900  }
0x9d: {  	[sflag:s31] =	ssyncset.done $0x0  }
0x9e: {  	s0 =	sadd.s32 $0x54E8, s0;
	[sflag:s31] =	ssyncadd.s32 $0xFFFFE700  }
0x9f: {  	[spmem:s3] =	stream.indirect.scatter.add.f32 [tilespmem:s23], [sflag:$0xA], $0x40, s0, s14, $0xb8;
	[tilespmem:$0x1BBC0] =	vst v63  }
0xa0: {  	_ =	swait.ge [sflag:s18], $0x1900  }
0xa1: {  	s0 =	sshra.s32 s29, $0x2;
	[sflag:s18] =	ssyncset.done $0x0  }
0xa2: {  	s5 =	sadd.s32 $0x3A8, s0;
	[sflag:s18] =	ssyncadd.s32 $0xFFFFE700  }
0xa3: {  	[tilespmem:s23], [sflag:$0x5] =	stream.indirect.gather [hbm4b:s1+s14], $0x40, s5, s14, $0xb8;
	[tilespmem:$0x1BBC0] =	vst v63  }
0xa4: {  	_ =	swait.ge [sflag:s24], $0x1900  }
0xa5: {  	[sflag:s24] =	ssyncset.done $0x0  }
0xa6: {  	s29 =	sadd.s32 $0x5348, s0;
	[sflag:s24] =	ssyncadd.s32 $0xFFFFE700  }
0xa7: {  	[spmem:s3] =	stream.indirect.scatter.add.f32 [tilespmem:s15], [sflag:$0x6], $0x40, s29, s14, $0xb8;
	[tilespmem:$0x1BBC0] =	vst v63  }
0xa8: {  	_ =	swait.ge [sflag:s28], $0x1900  }
0xa9: {  	[sflag:s28] =	ssyncset.done $0x0  }
0xaa: {  	s29 =	sadd.s32 $0x53B0, s0;
	[sflag:s28] =	ssyncadd.s32 $0xFFFFE700  }
0xab: {  	[spmem:s3] =	stream.indirect.scatter.add.f32 [tilespmem:s17], [sflag:$0x7], $0x40, s29, s14, $0xb8;
	[tilespmem:$0x1BBC0] =	vst v63  }
0xac: {  	_ =	swait.ge [sflag:s2], $0x1900  }
0xad: {  	[sflag:s2] =	ssyncset.done $0x0  }
0xae: {  	s29 =	sadd.s32 $0x5418, s0;
	[sflag:s2] =	ssyncadd.s32 $0xFFFFE700  }
0xaf: {  	[spmem:s3] =	stream.indirect.scatter.add.f32 [tilespmem:s19], [sflag:$0x8], $0x40, s29, s14, $0xb8;
	[tilespmem:$0x1BBC0] =	vst v63  }
0xb0: {  	_ =	swait.ge [sflag:s20], $0x1900  }
0xb1: {  	[sflag:s20] =	ssyncset.done $0x0  }
0xb2: {  	s29 =	sadd.s32 $0x5480, s0;
	[sflag:s20] =	ssyncadd.s32 $0xFFFFE700  }
0xb3: {  	[spmem:s3] =	stream.indirect.scatter.add.f32 [tilespmem:s21], [sflag:$0x9], $0x40, s29, s14, $0xb8;
	[tilespmem:$0x1BBC0] =	vst v63  }
0xb4: {  	_ =	swait.ge [sflag:s31], $0x1900  }
0xb5: {  	[sflag:s31] =	ssyncset.done $0x0  }
0xb6: {  	s0 =	sadd.s32 $0x54E8, s0;
	[sflag:s31] =	ssyncadd.s32 $0xFFFFE700  }
0xb7: {  	[spmem:s3] =	stream.indirect.scatter.add.f32 [tilespmem:s23], [sflag:$0xA], $0x40, s0, s14, $0xb8;
	[tilespmem:$0x1BBC0] =	vst v63  }
0xb8: {  	_ =	swait.ge [sflag:s25], $0x1900  }
0xb9: {  	[sflag:s25] =	ssyncset.done $0x0  }
0xba: {  	[sflag:s25] =	ssyncadd.s32 $0xFFFFE700  }
0xbb: {  	_ =	swait.ge [sflag:s30], $0x1900  }
0xbc: {  	[sflag:s30] =	ssyncset.done $0x0  }
0xbd: {  	[sflag:s30] =	ssyncadd.s32 $0xFFFFE700  }
0xbe: {  	_ =	swait.ge [sflag:s16], $0x1900  }
0xbf: {  	[sflag:s16] =	ssyncset.done $0x0  }
0xc0: {  	[sflag:s16] =	ssyncadd.s32 $0xFFFFE700  }
0xc1: {  	_ =	swait.ge [sflag:s26], $0x1900  }
0xc2: {  	[sflag:s26] =	ssyncset.done $0x0  }
0xc3: {  	[sflag:s26] =	ssyncadd.s32 $0xFFFFE700  }
0xc4: {  	_ =	swait.ge [sflag:s18], $0x1900  }
0xc5: {  	s22 =	sadd.s32 $0x1, s22;
	[sflag:s18] =	ssyncset.done $0x0  }
0xc6: {  	p0 =	sne.s32 s22, s10;
	[sflag:s18] =	ssyncadd.s32 $0xFFFFE700  }
.Ltmp1:
0xc7: {  	[bflag:$0x0] =	sbarrier.arrive $0xFFFF;
	(pc) =	sbr.rel @p0 .LBB2_1-.Ltmp1, $4  }
0xc8: {  	[hbm:s9], [sflag:s6] =	dma.local [spmem:s11], $0x1388  }
0xc9: {  	_ =	swait.ge [sflag:s12], $0x1388  }
0xca: {  	[sflag:s12] =	ssyncset.done $0x0  }
0xcb: {  	[sflag:s12] =	ssyncadd.s32 $0xFFFFEC78  }
0xcc: {  	_ =	sfence.sel $0x180000  }
0xcd: {  	[bflag:$0x0] =	sbarrier.arrive $0xFFFF  }
0xce: {  	_ =	strace $0x90000047  }
0xcf: {  	s0 =	stileid.u32;
	[bflag:$0x2] =	sbarrier.arrive $0xFFFF  }
0xd0: {  	p0 =	sne.s32 s0, $0x0;
	s0 =	rddreg [dreg:$0x4]  }
0xd1: {  	s0 =	sadd.s32 @!p0 $0x100000, s0  }
0xd2: {  	[sflag:s0] =	ssyncadd.tile.s32 @!p0 $0x1;
	_ =	shalt  }
.Lfunc_end2:
_tile_overlayer_lowered:
.L_overlay_start_2:
0xd3: {  	(tag) =	ssettag $0x2  }
0xd4: {  	s0 =	rddreg [dreg:$0x0];
	s2 =	stileid.u32  }
0xd5: {  	s1 =	rddreg [dreg:$0x1];
	p0 =	sne.s32 s2, $0x0  }
0xd6: {  	s3 =	rddreg [dreg:$0x2];
	[bflag:$0x3] =	sbarrier.arrive $0xFFFF;
	s2 =	simm.s32 @!p0 $0x1C0B  }
0xd7: {  	[timem:s3], [sflag:s2] =	dma.local @!p0 [hbm:s0], s1  }
0xd8: {  	s0 =	simm.s32 @!p0 $0xB  }
0xd9: {  	_ =	swait.ge @!p0 [sflag:s0], s1  }
0xda: {  	s1 =	ssub.s32 @!p0 $0x0, s1;
	[sflag:s0] =	ssyncset.done @!p0 $0x0  }
0xdb: {  	[sflag:s0] =	ssyncadd.s32 @!p0 s1  }
0xdc: {  	[bflag:$0x3] =	sbarrier.arrive $0xFFFF  }
0xdd: {  	_ =	shalt  }

// kernel: kernel.9.cloned.1.call-start
scs
__scs_entry_jumppad:
0x0: {  	(pc) =	sbr.rel $0x88, $3  }
0x1: {  	(tag) =	ssettag $0x0;
	lr =	simm.s32 $0x1  }
0x2: {  	[smem:$0x3F97] =	sst lr;
	_ =	strace $0xD0000000  }
0x3: {  	_ = 	snop  }
0x4: {  	_ = 	snop  }
0x5: {  	_ = 	snop  }
0x6: {  	_ = 	snop  }
0x7: {  	_ = 	snop  }
__scs_overlays_trampoline_lowered:
0x8: {  	[smem:$0x3FA6] =	sst s0  }
0x9: {  	[smem:$0x3FA7] =	sst s1  }
0xa: {  	[smem:$0x3FA8] =	sst s2  }
0xb: {  	[smem:$0x3FA9] =	sst s3  }
0xc: {  	[smem:$0x3FAA] =	sst s4  }
0xd: {  	[smem:$0x3FAB] =	sst s5  }
0xe: {  	[smem:$0x3FAC] =	sst s6  }
0xf: {  	[smem:$0x3FAD] =	sst s7  }
0x10: {  	[smem:$0x3FAE] =	sst s8  }
0x11: {  	[smem:$0x3FAF] =	sst s9;
	s0 =	simm.s32 @!p0 $0x0  }
0x12: {  	s1 =	sld [smem:$0x3F95];
	s0 =	simm.s32 @p0 $0x1  }
0x13: {  	[smem:$0x3FB0] =	sst s0;
	s0 =	simm.s32 @!p1 $0x0  }
0x14: {  	s2 =	sld [smem:$0x3F94];
	s0 =	simm.s32 @p1 $0x1  }
0x15: {  	[smem:$0x3FB1] =	sst s0;
	s0 =	simm.s32 @!p2 $0x0  }
0x16: {  	s3 =	sld [smem:$0x3FDB];
	s0 =	simm.s32 @p2 $0x1  }
0x17: {  	s4 =	simm.s32 $0x1BF5;
	[smem:$0x3FB3] =	sst s0  }
0x18: {  	s0 =	sld [smem:$0x3F96];
	_ =	swait.ge [sflag:s4], $0x0  }
0x19: {  	s7 =	sld [smem:$0x3F97]  }
0x1a: {  	s8 =	sadd.s32 $0xFFFFE003, lr  }
0x1b: {  	s9 =	sadd.s32 $0xFFFFFEF7, lr;
	s5 =	simm.s32 $0xFFFFFFFF;
	p2 =	slt.u32 s8, $0xFFFFF086  }
0x1c: {  	p1 =	slt.u32 s9, $0xF7A;
	s5 =	simm.s32 @!p2 $0x0  }
0x1d: {  	s5 =	simm.s32 @p1 $0x1;
	p0 =	seq.s32 s7, s2  }
0x1e: {  	s7 =	smul.u32 @!p0 $0xF7A, s2;
	p2 =	seq.s32 @!p0 s5, $0x0  }
0x1f: {  	s9 =	smul.u32 $0xF7A, s1;
	s8 =	simm.s32 @!p0 $0x1BF5;
	p2 =	por !p2, p0  }
0x20: {  	[sflag:s8] =	ssyncset.s32 @!p0 $0xFFFFF086;
	s6 =	sadd.s32 @!p0 s3, s7;
	s7 =	simm.s32 @!p0 $0x108  }
0x21: {  	s3 =	sadd.s32 s3, s9;
	s6 =	sadd.s32 @!p0 $0x88, s6;
	s7 =	simm.s32 @p2 $0x1082  }
0x22: {  	[simem:s7], [sflag:s8] =	dma.local @!p0 [hbm:s6], $0xF7A  }
0x23: {  	s9 =	sor.u32 $0xD0000000, s2;
	s6 =	simm.s32 $0x108;
	_ =	swait.ge @!p0 [sflag:s8], $0x0  }
0x24: {  	s3 =	sadd.s32 $0x88, s3;
	s6 =	simm.s32 @!p1 $0x1082;
	[sflag:s4] =	ssyncset.s32 $0xFFFFF086  }
0x25: {  	[simem:s6], [sflag:s4] =	dma.local [hbm:s3], $0xF7A  }
0x26: {  	[smem:$0x3F97] =	sst s1;
	(tag) =	ssettag s2;
	_ =	strace s9  }
0x27: {  	s1 =	sld [smem:$0x3FA7]  }
0x28: {  	s2 =	sld [smem:$0x3FA8]  }
0x29: {  	s4 =	sld [smem:$0x3FAA]  }
0x2a: {  	p0 =	seq.s32 s5, $0x0;
	s5 =	sld [smem:$0x3FAB]  }
0x2b: {  	s6 =	sld [smem:$0x3FAC]  }
0x2c: {  	s7 =	sld [smem:$0x3FAD]  }
0x2d: {  	s3 =	simm.s32 $0x108;
	s8 =	sld [smem:$0x3FAE]  }
0x2e: {  	s3 =	simm.s32 @!p0 $0x1082;
	s9 =	sld [smem:$0x3FAF]  }
0x2f: {  	lr =	sadd.s32 s0, s3;
	s0 =	sld [smem:$0x3FA6]  }
0x30: {  	s3 =	sld [smem:$0x3FA9]  }
0x31: {  	[smem:$0x3FB2] =	sst s10  }
0x32: {  	s10 =	sld [smem:$0x3FB0];
	_ =	sdelay $0x3  }
0x33: {  	p0 =	seq.s32 s10, $0x1;
	s10 =	sld [smem:$0x3FB2];
	_ =	sdelay $0x3  }
0x34: {  	[smem:$0x3FB2] =	sst s10  }
0x35: {  	s10 =	sld [smem:$0x3FB1];
	_ =	sdelay $0x3  }
0x36: {  	p1 =	seq.s32 s10, $0x1;
	s10 =	sld [smem:$0x3FB2];
	_ =	sdelay $0x3  }
0x37: {  	[smem:$0x3FB2] =	sst s10  }
0x38: {  	s10 =	sld [smem:$0x3FB3]  }
0x39: {  	_ = 	snop;
	(pc) =	sbr.ind lr, $3  }
0x3a: {  	_ = 	snop  }
0x3b: {  	_ = 	snop  }
0x3c: {  	p2 =	seq.s32 s10, $0x1;
	s10 =	sld [smem:$0x3FB2]  }
0x3d: {  	_ =	shalt  }
0x3e: {  	_ =	shalt  }
0x3f: {  	_ =	shalt  }
0x40: {  	_ =	shalt  }
0x41: {  	_ =	shalt  }
0x42: {  	_ =	shalt  }
0x43: {  	_ =	shalt  }
0x44: {  	_ =	shalt  }
0x45: {  	_ =	shalt  }
0x46: {  	_ =	shalt  }
0x47: {  	_ =	shalt  }
0x48: {  	_ =	shalt  }
0x49: {  	_ =	shalt  }
0x4a: {  	_ =	shalt  }
0x4b: {  	_ =	shalt  }
0x4c: {  	_ =	shalt  }
0x4d: {  	_ =	shalt  }
0x4e: {  	_ =	shalt  }
0x4f: {  	_ =	shalt  }
0x50: {  	_ =	shalt  }
0x51: {  	_ =	shalt  }
0x52: {  	_ =	shalt  }
0x53: {  	_ =	shalt  }
0x54: {  	_ =	shalt  }
0x55: {  	_ =	shalt  }
0x56: {  	_ =	shalt  }
0x57: {  	_ =	shalt  }
0x58: {  	_ =	shalt  }
0x59: {  	_ =	shalt  }
0x5a: {  	_ =	shalt  }
0x5b: {  	_ =	shalt  }
0x5c: {  	_ =	shalt  }
0x5d: {  	_ =	shalt  }
0x5e: {  	_ =	shalt  }
0x5f: {  	_ =	shalt  }
0x60: {  	_ =	shalt  }
0x61: {  	_ =	shalt  }
0x62: {  	_ =	shalt  }
0x63: {  	_ =	shalt  }
0x64: {  	_ =	shalt  }
0x65: {  	_ =	shalt  }
0x66: {  	_ =	shalt  }
0x67: {  	_ =	shalt  }
0x68: {  	_ =	shalt  }
0x69: {  	_ =	shalt  }
0x6a: {  	_ =	shalt  }
0x6b: {  	_ =	shalt  }
0x6c: {  	_ =	shalt  }
0x6d: {  	_ =	shalt  }
0x6e: {  	_ =	shalt  }
0x6f: {  	_ =	shalt  }
0x70: {  	_ =	shalt  }
0x71: {  	_ =	shalt  }
0x72: {  	_ =	shalt  }
0x73: {  	_ =	shalt  }
0x74: {  	_ =	shalt  }
0x75: {  	_ =	shalt  }
0x76: {  	_ =	shalt  }
0x77: {  	_ =	shalt  }
0x78: {  	_ =	shalt  }
0x79: {  	_ =	shalt  }
0x7a: {  	_ =	shalt  }
0x7b: {  	_ =	shalt  }
0x7c: {  	_ =	shalt  }
0x7d: {  	_ =	shalt  }
0x7e: {  	_ =	shalt  }
0x7f: {  	_ =	shalt  }
0x80: {  	_ =	shalt  }
0x81: {  	_ =	shalt  }
0x82: {  	_ =	shalt  }
0x83: {  	_ =	shalt  }
0x84: {  	_ =	shalt  }
0x85: {  	_ =	shalt  }
0x86: {  	_ =	shalt  }
0x87: {  	_ =	shalt  }
.Lfunc_end0:
.L_simem_size_0:
called_computation.1_lowered:
.L_overlay_start_0:
0x88: {  	s2 =	sld [smem:$0x3FD9]  }
0x89: {  	s3 =	sld [smem:$0x3FFE];
	_ =	sdelay $0x1  }
0x8a: {  	s1 =	srdreg.scid  }
0x8b: {  	s0 =	sand.u32 $0x1, s1  }
0x8c: {  	s17 =	sshll.u32 s0, $0xA;
	s2 =	sadd.s32 s3, s2  }
0x8d: {  	s2 =	sadd.s32 s2, s17  }
0x8e: {  	[smem:$0x3FBE] =	sst s2  }
0x8f: {  	_ = 	snop  }
0x90: {  	s2 =	sld [smem:$0x3FD0];
	(tm) =	ssettm $0x1  }
0x91: {  	s18 =	sld [smem:$0x3FFB];
	_ =	sdelay $0x3  }
0x92: {  	_ =	strace s18  }
0x93: {  	s3 =	sld [smem:$0x3FFC];
	_ =	sdelay $0x3  }
0x94: {  	_ =	strace s3  }
0x95: {  	s3 =	sld [smem:$0x3FFD];
	_ =	sdelay $0x3  }
0x96: {  	_ =	strace s3  }
0x97: {  	_ =	strace $0x8FFFFFFF  }
0x98: {  	s19 =	sld [smem:$0x3FDB];
	_ =	sdelay $0x1  }
0x99: {  	s4 =	simm.s32 $_scs_section_size  }
0x9a: {  	s5 =	simm.s32 $_size__tile_overlayer_lowered;
	s6 =	simm.s32 $_tile_overlayer_lowered  }
0x9b: {  	s22 =	simm.s32 $0x1BFF;
	s21 =	sshll.u32 s6, $0x1;
	s3 =	sadd.s32 s4, s19  }
0x9c: {  	s7 =	simm.s32 $0x0;
	s20 =	sshll.u32 s5, $0x1;
	s5 =	sadd.s32 s21, s3  }
0x9d: {  	[timem:s7], [sflag:s22] =	dma.local [hbm:s5], s20  }
0x9e: {  	_ =	swait.ge [sflag:s22], s20  }
0x9f: {  	s4 =	ssub.s32 $0x0, s20;
	[sflag:s22] =	ssyncset.done $0x0  }
0xa0: {  	[sflag:s22] =	ssyncadd.s32 s4;
	_ =	sdelay $0x1  }
0xa1: {  	s23 =	simm.s32 $0x1B8B  }
0xa2: {  	_ =	swait.ge [sflag:s23], $0x1  }
0xa3: {  	[sflag:s23] =	ssyncset.done $0x0  }
0xa4: {  	s25 =	simm.s32 $0x1B8E;
	s24 =	sld [smem:$0x3FFE];
	[sflag:s23] =	ssyncadd.s32 $0xFFFFFFFF  }
0xa5: {  	s26 =	simm.s32 $execute0_lowered;
	[smem:$0x3FD2] =	sst s25  }
0xa6: {  	s5 =	sshll.u32 s26, $0x1;
	_ =	strace $0x80000049;
	[dreg:$0x1] =	wrdreg $0xFFFFFFFF  }
0xa7: {  	s28 =	simm.s32 $_size_execute0_lowered;
	s3 =	sadd.s32 s3, s5;
	[dreg:$0x0] =	wrdreg $0x0  }
0xa8: {  	s5 =	sshll.u32 s28, $0x1;
	[dreg:$0x2] =	wrdreg s3  }
0xa9: {  	[dreg:$0x3] =	wrdreg s5  }
0xaa: {  	[dreg:$0x4] =	wrdreg $0xC0  }
0xab: {  	_ =	task [dreg:s7], $0x5FFFF  }
0xac: {  	[dreg:$0x1] =	wrdreg $0xFFFFFFFF  }
0xad: {  	[dreg:$0x0] =	wrdreg $0x60  }
0xae: {  	[dreg:$0x2] =	wrdreg s2  }
0xaf: {  	[dreg:$0x3] =	wrdreg s24  }
0xb0: {  	[dreg:$0x4] =	wrdreg $0x11F800  }
0xb1: {  	[dreg:$0x5] =	wrdreg $0x9  }
0xb2: {  	_ =	task.clear_ibuf [dreg:s7], $0x6FFFF;
	_ =	strace $0x90000049  }
0xb3: {  	s29 =	simm.s32 $0x9;
	_ =	strace $0x8000004B  }
0xb4: {  	_ =	swait.ge [sflag:s29], $0x1  }
0xb5: {  	[sflag:s29] =	ssyncadd.s32 $0xFFFFFFFF  }
0xb6: {  	_ =	strace $0x9000004B  }
0xb7: {  	_ =	sfence  }
0xb8: {  	s30 =	sld [smem:$0x0];
	_ =	sdelay $0x2  }
0xb9: {  	s31 =	sshll.u32 s1, $0xD;
	s1 =	sshrl.u32 s1, $0x2  }
0xba: {  	s3 =	sand.u32 $0x4000, s31;
	s1 =	sadd.s32 s1, s30  }
0xbb: {  	s0 =	sor.u32 s3, s0;
	s1 =	sshll.u32 s1, $0x11  }
0xbc: {  	s0 =	sor.u32 s1, s0  }
0xbd: {  	s0 =	sadd.s32 $0x8F2B, s0  }
0xbe: {  	[sflag:s0] =	ssyncadd.remote.s32 $0x1  }
0xbf: {  	_ =	sfence.sel $0xFFFF  }
0xc0: {  	[dreg:$0x0] =	wrdreg $0xFFFFFFFF;
	(pc) =	sbr.abs _section_cstart, $3  }
0xc1: {  	[dreg:$0x1] =	wrdreg $0xFFFFFFFF  }
0xc2: {  	_ =	task.clear_ibuf [dreg:s7], $0x2FFFF;
	_ =	strace $0x9FFFFFFF  }
0xc3: {  	(tm) =	ssettm $0x7FFFFFFF  }
tec
execute0_lowered:
.L_overlay_start_1:
0x0: {  	(tag) =	ssettag $0x1  }
0x1: {  	s1 =	rddreg [dreg:$0x0];
	s0 =	srdreg.scid  }
0x2: {  	s10 =	stileid.u32;
	s2 =	rddreg [dreg:$0x1]  }
0x3: {  	s3 =	rddreg [dreg:$0x2];
	s4 =	simm.s32 $0x0;
	s12 =	simm.s32 $0xB  }
0x4: {  	s13 =	simm.s32 $0x5140;
	s14 =	simm.s32 $0x64;
	s15 =	simm.s32 $0xA280  }
0x5: {  	s17 =	simm.s32 $0xBB80;
	s19 =	simm.s32 $0xD480;
	s21 =	simm.s32 $0xED80  }
0x6: {  	s28 =	simm.s32 $0x2;
	s30 =	simm.s32 $0x7;
	s16 =	simm.s32 $0x8  }
0x7: {  	s20 =	simm.s32 $0x4;
	s31 =	simm.s32 $0x5;
	s5 =	smul.u32 $0x5140, s10  }
0x8: {  	s18 =	simm.s32 $0xA;
	s22 =	simm.s32 $0x0;
	s8 =	smul.u32 $0x9C40, s10  }
0x9: {  	s0 =	sand.u32 $0x1, s0;
	[smem:$0x7FF] =	sst s4;
	s25 =	smul.u32 $0x27100, s10  }
0xa: {  	s26 =	sadd.s32 $0x20600, s2;
	s10 =	sshll.u32 s10, $0x6;
	s6 =	smul.u32 $0x51400, s0  }
0xb: {  	s7 =	smul.u32 $0x9C400, s0;
	_ =	strace $0x8000004A;
	s0 =	ssub.s32 $0x2, s0  }
0xc: {  	[dreg:$0x4] =	wrdreg s26;
	s26 =	simm.s32 $0x9;
	s29 =	sshrl.u32 s0, $0x1  }
0xd: {  	s6 =	sadd.s32 s5, s6;
	s5 =	sshrl.u32 s5, $0x3;
	s23 =	sadd.s32 s8, s7  }
0xe: {  	s7 =	sshrl.u32 s25, $0x2;
	s0 =	ssub.s32 s0, s29;
	s25 =	simm.s32 $0x6  }
0xf: {  	s6 =	sshrl.u32 s6, $0x3;
	s24 =	sadd.s32 s5, s2;
	s11 =	sadd.s32 s7, s3  }
0x10: {  	s9 =	sadd.s32 s6, s2;
	s6 =	sshrl.u32 s23, $0x3;
	s8 =	sadd.s32 $0x1C00, s24  }
0x11: {  	s11 =	sshrl.u32 s11, $0x3;
	s23 =	simm.s32 $0x10680;
	s24 =	simm.s32 $0x1  }
0x12: {  	s2 =	sadd.s32 s6, s2;
	s6 =	sor.u32 $0x1C0B, s10;
	s7 =	sadd.s32 $0xC000, s9  }
0x13: {  	s10 =	smax.u32 s0, $0x1;
	s9 =	sadd.s32 $0x21A00, s2;
	s2 =	simm.s32 $0x3  }
.LBB2_1:
0x14: {  	s0 =	rddreg [dreg:$0x4]  }
0x15: {  	[spmem:s11], [sflag:s6] =	dma.local [hbm:s0], $0x1388  }
0x16: {  	_ =	swait.ge [sflag:s12], $0x1388  }
0x17: {  	[sflag:s12] =	ssyncset.done $0x0  }
0x18: {  	[sflag:s12] =	ssyncadd.s32 $0xFFFFEC78  }
0x19: {  	[tilespmem:s4], [sflag:$0xB] =	stream.linear.gather [hbm4b:s7+s4], $0x5140, $0x38;
	[tilespmem:$0x1BBC0] =	vst v63  }
0x1a: {  	_ =	swait.ge [sflag:s12], $0x5140  }
0x1b: {  	[sflag:s12] =	ssyncset.done $0x0  }
0x1c: {  	[sflag:s12] =	ssyncadd.s32 $0xFFFFAEC0  }
0x1d: {  	[tilespmem:s13], [sflag:$0xB] =	stream.linear.gather [hbm4b:s8+s4], $0x5140, $0x38;
	[tilespmem:$0x1BBC0] =	vst v63  }
0x1e: {  	_ =	swait.ge [sflag:s12], $0x5140  }
0x1f: {  	[sflag:s12] =	ssyncset.done $0x0  }
0x20: {  	[sflag:s12] =	ssyncadd.s32 $0xFFFFAEC0  }
0x21: {  	[bflag:$0x0] =	sbarrier.arrive $0xFFFF  }
0x22: {  	[tilespmem:s15], [sflag:$0x1] =	stream.indirect.gather [hbm4b:s1+s14], $0x40, s4, s14, $0xb8;
	[tilespmem:$0x1BBC0] =	vst v63  }
0x23: {  	s5 =	simm.s32 $0x68  }
0x24: {  	[tilespmem:s17], [sflag:$0x2] =	stream.indirect.gather [hbm4b:s1+s14], $0x40, s5, s14, $0xb8;
	[tilespmem:$0x1BBC0] =	vst v63  }
0x25: {  	s5 =	simm.s32 $0xD0  }
0x26: {  	[tilespmem:s19], [sflag:$0x3] =	stream.indirect.gather [hbm4b:s1+s14], $0x40, s5, s14, $0xb8;
	[tilespmem:$0x1BBC0] =	vst v63  }
0x27: {  	s5 =	simm.s32 $0x138  }
0x28: {  	[tilespmem:s21], [sflag:$0x4] =	stream.indirect.gather [hbm4b:s1+s14], $0x40, s5, s14, $0xb8;
	[tilespmem:$0x1BBC0] =	vst v63  }
0x29: {  	s5 =	simm.s32 $0x1A0  }
0x2a: {  	[tilespmem:s23], [sflag:$0x5] =	stream.indirect.gather [hbm4b:s1+s14], $0x40, s5, s14, $0xb8;
	[tilespmem:$0x1BBC0] =	vst v63  }
0x2b: {  	_ =	swait.ge [sflag:s24], $0x1900  }
0x2c: {  	[sflag:s24] =	ssyncset.done $0x0  }
0x2d: {  	[sflag:s24] =	ssyncadd.s32 $0xFFFFE700  }
0x2e: {  	[spmem:s3] =	stream.indirect.scatter.add.f32 [tilespmem:s15], [sflag:$0x6], $0x40, s13, s14, $0xb8;
	[tilespmem:$0x1BBC0] =	vst v63  }
0x2f: {  	_ =	swait.ge [sflag:s25], $0x1900  }
0x30: {  	[sflag:s25] =	ssyncset.done $0x0  }
0x31: {  	s5 =	simm.s32 $0x208;
	[sflag:s25] =	ssyncadd.s32 $0xFFFFE700  }
0x32: {  	[tilespmem:s15], [sflag:$0x1] =	stream.indirect.gather [hbm4b:s1+s14], $0x40, s5, s14, $0xb8;
	[tilespmem:$0x1BBC0] =	vst v63  }
0x33: {  	_ =	swait.ge [sflag:s28], $0x1900  }
0x34: {  	[sflag:s28] =	ssyncset.done $0x0  }
0x35: {  	s5 =	simm.s32 $0x51A8;
	[sflag:s28] =	ssyncadd.s32 $0xFFFFE700  }
0x36: {  	[spmem:s3] =	stream.indirect.scatter.add.f32 [tilespmem:s17], [sflag:$0x7], $0x40, s5, s14, $0xb8;
	[tilespmem:$0x1BBC0] =	vst v63  }
0x37: {  	_ =	swait.ge [sflag:s30], $0x1900  }
0x38: {  	[sflag:s30] =	ssyncset.done $0x0  }
0x39: {  	s5 =	simm.s32 $0x270;
	[sflag:s30] =	ssyncadd.s32 $0xFFFFE700  }
0x3a: {  	[tilespmem:s17], [sflag:$0x2] =	stream.indirect.gather [hbm4b:s1+s14], $0x40, s5, s14, $0xb8;
	[tilespmem:$0x1BBC0] =	vst v63  }
0x3b: {  	_ =	swait.ge [sflag:s2], $0x1900  }
0x3c: {  	[sflag:s2] =	ssyncset.done $0x0  }
0x3d: {  	s5 =	simm.s32 $0x5210;
	[sflag:s2] =	ssyncadd.s32 $0xFFFFE700  }
0x3e: {  	[spmem:s3] =	stream.indirect.scatter.add.f32 [tilespmem:s19], [sflag:$0x8], $0x40, s5, s14, $0xb8;
	[tilespmem:$0x1BBC0] =	vst v63  }
0x3f: {  	_ =	swait.ge [sflag:s16], $0x1900  }
0x40: {  	[sflag:s16] =	ssyncset.done $0x0  }
0x41: {  	s5 =	simm.s32 $0x2D8;
	[sflag:s16] =	ssyncadd.s32 $0xFFFFE700  }
0x42: {  	[tilespmem:s19], [sflag:$0x3] =	stream.indirect.gather [hbm4b:s1+s14], $0x40, s5, s14, $0xb8;
	[tilespmem:$0x1BBC0] =	vst v63  }
0x43: {  	_ =	swait.ge [sflag:s20], $0x1900  }
0x44: {  	[sflag:s20] =	ssyncset.done $0x0  }
0x45: {  	s5 =	simm.s32 $0x5278;
	[sflag:s20] =	ssyncadd.s32 $0xFFFFE700  }
0x46: {  	[spmem:s3] =	stream.indirect.scatter.add.f32 [tilespmem:s21], [sflag:$0x9], $0x40, s5, s14, $0xb8;
	[tilespmem:$0x1BBC0] =	vst v63  }
0x47: {  	_ =	swait.ge [sflag:s26], $0x1900  }
0x48: {  	[sflag:s26] =	ssyncset.done $0x0  }
0x49: {  	s5 =	simm.s32 $0x340;
	[sflag:s26] =	ssyncadd.s32 $0xFFFFE700  }
0x4a: {  	[tilespmem:s21], [sflag:$0x4] =	stream.indirect.gather [hbm4b:s1+s14], $0x40, s5, s14, $0xb8;
	[tilespmem:$0x1BBC0] =	vst v63  }
0x4b: {  	_ =	swait.ge [sflag:s31], $0x1900  }
0x4c: {  	[sflag:s31] =	ssyncset.done $0x0  }
0x4d: {  	s5 =	simm.s32 $0x52E0;
	[sflag:s31] =	ssyncadd.s32 $0xFFFFE700  }
0x4e: {  	[spmem:s3] =	stream.indirect.scatter.add.f32 [tilespmem:s23], [sflag:$0xA], $0x40, s5, s14, $0xb8;
	[tilespmem:$0x1BBC0] =	vst v63  }
0x4f: {  	_ =	swait.ge [sflag:s18], $0x1900  }
0x50: {  	[sflag:s18] =	ssyncset.done $0x0  }
0x51: {  	s5 =	simm.s32 $0x3A8;
	[sflag:s18] =	ssyncadd.s32 $0xFFFFE700  }
0x52: {  	[tilespmem:s23], [sflag:$0x5] =	stream.indirect.gather [hbm4b:s1+s14], $0x40, s5, s14, $0xb8;
	[tilespmem:$0x1BBC0] =	vst v63  }
0x53: {  	_ =	swait.ge [sflag:s24], $0x1900  }
0x54: {  	[sflag:s24] =	ssyncset.done $0x0  }
0x55: {  	s5 =	simm.s32 $0x5348;
	[sflag:s24] =	ssyncadd.s32 $0xFFFFE700  }
0x56: {  	[spmem:s3] =	stream.indirect.scatter.add.f32 [tilespmem:s15], [sflag:$0x6], $0x40, s5, s14, $0xb8;
	[tilespmem:$0x1BBC0] =	vst v63  }
0x57: {  	_ =	swait.ge [sflag:s25], $0x1900  }
0x58: {  	[sflag:s25] =	ssyncset.done $0x0  }
0x59: {  	s5 =	simm.s32 $0x410;
	[sflag:s25] =	ssyncadd.s32 $0xFFFFE700  }
0x5a: {  	[tilespmem:s15], [sflag:$0x1] =	stream.indirect.gather [hbm4b:s1+s14], $0x40, s5, s14, $0xb8;
	[tilespmem:$0x1BBC0] =	vst v63  }
0x5b: {  	_ =	swait.ge [sflag:s28], $0x1900  }
0x5c: {  	[sflag:s28] =	ssyncset.done $0x0  }
0x5d: {  	s5 =	simm.s32 $0x53B0;
	[sflag:s28] =	ssyncadd.s32 $0xFFFFE700  }
0x5e: {  	[spmem:s3] =	stream.indirect.scatter.add.f32 [tilespmem:s17], [sflag:$0x7], $0x40, s5, s14, $0xb8;
	[tilespmem:$0x1BBC0] =	vst v63  }
0x5f: {  	_ =	swait.ge [sflag:s30], $0x1900  }
0x60: {  	[sflag:s30] =	ssyncset.done $0x0  }
0x61: {  	s5 =	simm.s32 $0x478;
	[sflag:s30] =	ssyncadd.s32 $0xFFFFE700  }
0x62: {  	[tilespmem:s17], [sflag:$0x2] =	stream.indirect.gather [hbm4b:s1+s14], $0x40, s5, s14, $0xb8;
	[tilespmem:$0x1BBC0] =	vst v63  }
0x63: {  	_ =	swait.ge [sflag:s2], $0x1900  }
0x64: {  	[sflag:s2] =	ssyncset.done $0x0  }
0x65: {  	s5 =	simm.s32 $0x5418;
	[sflag:s2] =	ssyncadd.s32 $0xFFFFE700  }
0x66: {  	[spmem:s3] =	stream.indirect.scatter.add.f32 [tilespmem:s19], [sflag:$0x8], $0x40, s5, s14, $0xb8;
	[tilespmem:$0x1BBC0] =	vst v63  }
0x67: {  	_ =	swait.ge [sflag:s16], $0x1900  }
0x68: {  	[sflag:s16] =	ssyncset.done $0x0  }
0x69: {  	s5 =	simm.s32 $0x4E0;
	[sflag:s16] =	ssyncadd.s32 $0xFFFFE700  }
0x6a: {  	[tilespmem:s19], [sflag:$0x3] =	stream.indirect.gather [hbm4b:s1+s14], $0x40, s5, s14, $0xb8;
	[tilespmem:$0x1BBC0] =	vst v63  }
0x6b: {  	_ =	swait.ge [sflag:s20], $0x1900  }
0x6c: {  	[sflag:s20] =	ssyncset.done $0x0  }
0x6d: {  	s5 =	simm.s32 $0x5480;
	[sflag:s20] =	ssyncadd.s32 $0xFFFFE700  }
0x6e: {  	[spmem:s3] =	stream.indirect.scatter.add.f32 [tilespmem:s21], [sflag:$0x9], $0x40, s5, s14, $0xb8;
	[tilespmem:$0x1BBC0] =	vst v63  }
0x6f: {  	_ =	swait.ge [sflag:s26], $0x1900  }
0x70: {  	[sflag:s26] =	ssyncset.done $0x0  }
0x71: {  	s5 =	simm.s32 $0x548;
	[sflag:s26] =	ssyncadd.s32 $0xFFFFE700  }
0x72: {  	[tilespmem:s21], [sflag:$0x4] =	stream.indirect.gather [hbm4b:s1+s14], $0x40, s5, s14, $0xb8;
	[tilespmem:$0x1BBC0] =	vst v63  }
0x73: {  	_ =	swait.ge [sflag:s31], $0x1900  }
0x74: {  	[sflag:s31] =	ssyncset.done $0x0  }
0x75: {  	s29 =	simm.s32 $0x820;
	s0 =	simm.s32 $0x54E8;
	[sflag:s31] =	ssyncadd.s32 $0xFFFFE700  }
.LBB2_2:
0x76: {  	[spmem:s3] =	stream.indirect.scatter.add.f32 [tilespmem:s23], [sflag:$0xA], $0x40, s0, s14, $0xb8;
	[tilespmem:$0x1BBC0] =	vst v63  }
0x77: {  	s0 =	smov.u32 s29;
	s29 =	sadd.s32 $0x820, s29;
	_ =	swait.ge [sflag:s18], $0x1900  }
0x78: {  	s0 =	sshra.s32 s0, $0x2;
	p0 =	sne.s32 s29, $0x134C0;
	[sflag:s18] =	ssyncset.done $0x0  }
0x79: {  	s5 =	sadd.s32 $0x3A8, s0;
	[sflag:s18] =	ssyncadd.s32 $0xFFFFE700  }
0x7a: {  	[tilespmem:s23], [sflag:$0x5] =	stream.indirect.gather [hbm4b:s1+s14], $0x40, s5, s14, $0xb8;
	[tilespmem:$0x1BBC0] =	vst v63  }
0x7b: {  	_ =	swait.ge [sflag:s24], $0x1900  }
0x7c: {  	[sflag:s24] =	ssyncset.done $0x0  }
0x7d: {  	s5 =	sadd.s32 $0x5348, s0;
	[sflag:s24] =	ssyncadd.s32 $0xFFFFE700  }
0x7e: {  	[spmem:s3] =	stream.indirect.scatter.add.f32 [tilespmem:s15], [sflag:$0x6], $0x40, s5, s14, $0xb8;
	[tilespmem:$0x1BBC0] =	vst v63  }
0x7f: {  	_ =	swait.ge [sflag:s25], $0x1900  }
0x80: {  	[sflag:s25] =	ssyncset.done $0x0  }
0x81: {  	s5 =	sadd.s32 $0x410, s0;
	[sflag:s25] =	ssyncadd.s32 $0xFFFFE700  }
0x82: {  	[tilespmem:s15], [sflag:$0x1] =	stream.indirect.gather [hbm4b:s1+s14], $0x40, s5, s14, $0xb8;
	[tilespmem:$0x1BBC0] =	vst v63  }
0x83: {  	_ =	swait.ge [sflag:s28], $0x1900  }
0x84: {  	[sflag:s28] =	ssyncset.done $0x0  }
0x85: {  	s5 =	sadd.s32 $0x53B0, s0;
	[sflag:s28] =	ssyncadd.s32 $0xFFFFE700  }
0x86: {  	[spmem:s3] =	stream.indirect.scatter.add.f32 [tilespmem:s17], [sflag:$0x7], $0x40, s5, s14, $0xb8;
	[tilespmem:$0x1BBC0] =	vst v63  }
0x87: {  	_ =	swait.ge [sflag:s30], $0x1900  }
0x88: {  	[sflag:s30] =	ssyncset.done $0x0  }
0x89: {  	s5 =	sadd.s32 $0x478, s0;
	[sflag:s30] =	ssyncadd.s32 $0xFFFFE700  }
0x8a: {  	[tilespmem:s17], [sflag:$0x2] =	stream.indirect.gather [hbm4b:s1+s14], $0x40, s5, s14, $0xb8;
	[tilespmem:$0x1BBC0] =	vst v63  }
0x8b: {  	_ =	swait.ge [sflag:s2], $0x1900  }
0x8c: {  	[sflag:s2] =	ssyncset.done $0x0  }
0x8d: {  	s5 =	sadd.s32 $0x5418, s0;
	[sflag:s2] =	ssyncadd.s32 $0xFFFFE700  }
0x8e: {  	[spmem:s3] =	stream.indirect.scatter.add.f32 [tilespmem:s19], [sflag:$0x8], $0x40, s5, s14, $0xb8;
	[tilespmem:$0x1BBC0] =	vst v63  }
0x8f: {  	_ =	swait.ge [sflag:s16], $0x1900  }
0x90: {  	[sflag:s16] =	ssyncset.done $0x0  }
0x91: {  	s5 =	sadd.s32 $0x4E0, s0;
	[sflag:s16] =	ssyncadd.s32 $0xFFFFE700  }
0x92: {  	[tilespmem:s19], [sflag:$0x3] =	stream.indirect.gather [hbm4b:s1+s14], $0x40, s5, s14, $0xb8;
	[tilespmem:$0x1BBC0] =	vst v63  }
0x93: {  	_ =	swait.ge [sflag:s20], $0x1900  }
0x94: {  	[sflag:s20] =	ssyncset.done $0x0  }
0x95: {  	s5 =	sadd.s32 $0x5480, s0;
	[sflag:s20] =	ssyncadd.s32 $0xFFFFE700  }
0x96: {  	[spmem:s3] =	stream.indirect.scatter.add.f32 [tilespmem:s21], [sflag:$0x9], $0x40, s5, s14, $0xb8;
	[tilespmem:$0x1BBC0] =	vst v63  }
0x97: {  	_ =	swait.ge [sflag:s26], $0x1900  }
0x98: {  	[sflag:s26] =	ssyncset.done $0x0  }
.Ltmp0:
0x99: {  	s5 =	sadd.s32 $0x548, s0;
	[sflag:s26] =	ssyncadd.s32 $0xFFFFE700;
	(pc) =	sbr.rel @p0 .LBB2_2-.Ltmp0, $4  }
0x9a: {  	[tilespmem:s21], [sflag:$0x4] =	stream.indirect.gather [hbm4b:s1+s14], $0x40, s5, s14, $0xb8;
	[tilespmem:$0x1BBC0] =	vst v63  }
0x9b: {  	_ =	swait.ge [sflag:s31], $0x1900  }
0x9c: {  	[sflag:s31] =	ssyncset.done $0x0  }
0x9d: {  	s0 =	sadd.s32 $0x54E8, s0;
	[sflag:s31] =	ssyncadd.s32 $0xFFFFE700  }
0x9e: {  	[spmem:s3] =	stream.indirect.scatter.add.f32 [tilespmem:s23], [sflag:$0xA], $0x40, s0, s14, $0xb8;
	[tilespmem:$0x1BBC0] =	vst v63  }
0x9f: {  	_ =	swait.ge [sflag:s18], $0x1900  }
0xa0: {  	s0 =	sshra.s32 s29, $0x2;
	[sflag:s18] =	ssyncset.done $0x0  }
0xa1: {  	s5 =	sadd.s32 $0x3A8, s0;
	[sflag:s18] =	ssyncadd.s32 $0xFFFFE700  }
0xa2: {  	[tilespmem:s23], [sflag:$0x5] =	stream.indirect.gather [hbm4b:s1+s14], $0x40, s5, s14, $0xb8;
	[tilespmem:$0x1BBC0] =	vst v63  }
0xa3: {  	_ =	swait.ge [sflag:s24], $0x1900  }
0xa4: {  	[sflag:s24] =	ssyncset.done $0x0  }
0xa5: {  	s29 =	sadd.s32 $0x5348, s0;
	[sflag:s24] =	ssyncadd.s32 $0xFFFFE700  }
0xa6: {  	[spmem:s3] =	stream.indirect.scatter.add.f32 [tilespmem:s15], [sflag:$0x6], $0x40, s29, s14, $0xb8;
	[tilespmem:$0x1BBC0] =	vst v63  }
0xa7: {  	_ =	swait.ge [sflag:s28], $0x1900  }
0xa8: {  	[sflag:s28] =	ssyncset.done $0x0  }
0xa9: {  	s29 =	sadd.s32 $0x53B0, s0;
	[sflag:s28] =	ssyncadd.s32 $0xFFFFE700  }
0xaa: {  	[spmem:s3] =	stream.indirect.scatter.add.f32 [tilespmem:s17], [sflag:$0x7], $0x40, s29, s14, $0xb8;
	[tilespmem:$0x1BBC0] =	vst v63  }
0xab: {  	_ =	swait.ge [sflag:s2], $0x1900  }
0xac: {  	[sflag:s2] =	ssyncset.done $0x0  }
0xad: {  	s29 =	sadd.s32 $0x5418, s0;
	[sflag:s2] =	ssyncadd.s32 $0xFFFFE700  }
0xae: {  	[spmem:s3] =	stream.indirect.scatter.add.f32 [tilespmem:s19], [sflag:$0x8], $0x40, s29, s14, $0xb8;
	[tilespmem:$0x1BBC0] =	vst v63  }
0xaf: {  	_ =	swait.ge [sflag:s20], $0x1900  }
0xb0: {  	[sflag:s20] =	ssyncset.done $0x0  }
0xb1: {  	s29 =	sadd.s32 $0x5480, s0;
	[sflag:s20] =	ssyncadd.s32 $0xFFFFE700  }
0xb2: {  	[spmem:s3] =	stream.indirect.scatter.add.f32 [tilespmem:s21], [sflag:$0x9], $0x40, s29, s14, $0xb8;
	[tilespmem:$0x1BBC0] =	vst v63  }
0xb3: {  	_ =	swait.ge [sflag:s31], $0x1900  }
0xb4: {  	[sflag:s31] =	ssyncset.done $0x0  }
0xb5: {  	s0 =	sadd.s32 $0x54E8, s0;
	[sflag:s31] =	ssyncadd.s32 $0xFFFFE700  }
0xb6: {  	[spmem:s3] =	stream.indirect.scatter.add.f32 [tilespmem:s23], [sflag:$0xA], $0x40, s0, s14, $0xb8;
	[tilespmem:$0x1BBC0] =	vst v63  }
0xb7: {  	_ =	swait.ge [sflag:s25], $0x1900  }
0xb8: {  	[sflag:s25] =	ssyncset.done $0x0  }
0xb9: {  	[sflag:s25] =	ssyncadd.s32 $0xFFFFE700  }
0xba: {  	_ =	swait.ge [sflag:s30], $0x1900  }
0xbb: {  	[sflag:s30] =	ssyncset.done $0x0  }
0xbc: {  	[sflag:s30] =	ssyncadd.s32 $0xFFFFE700  }
0xbd: {  	_ =	swait.ge [sflag:s16], $0x1900  }
0xbe: {  	[sflag:s16] =	ssyncset.done $0x0  }
0xbf: {  	[sflag:s16] =	ssyncadd.s32 $0xFFFFE700  }
0xc0: {  	_ =	swait.ge [sflag:s26], $0x1900  }
0xc1: {  	[sflag:s26] =	ssyncset.done $0x0  }
0xc2: {  	[sflag:s26] =	ssyncadd.s32 $0xFFFFE700  }
0xc3: {  	_ =	swait.ge [sflag:s18], $0x1900  }
0xc4: {  	s22 =	sadd.s32 $0x1, s22;
	[sflag:s18] =	ssyncset.done $0x0  }
0xc5: {  	p0 =	sne.s32 s22, s10;
	[sflag:s18] =	ssyncadd.s32 $0xFFFFE700  }
.Ltmp1:
0xc6: {  	[bflag:$0x0] =	sbarrier.arrive $0xFFFF;
	(pc) =	sbr.rel @p0 .LBB2_1-.Ltmp1, $4  }
0xc7: {  	[hbm:s9], [sflag:s6] =	dma.local [spmem:s11], $0x1388  }
0xc8: {  	_ =	swait.ge [sflag:s12], $0x1388  }
0xc9: {  	[sflag:s12] =	ssyncset.done $0x0  }
0xca: {  	[sflag:s12] =	ssyncadd.s32 $0xFFFFEC78  }
0xcb: {  	_ =	sfence.sel $0x180000  }
0xcc: {  	[bflag:$0x0] =	sbarrier.arrive $0xFFFF  }
0xcd: {  	_ =	strace $0x9000004A  }
0xce: {  	s0 =	stileid.u32;
	[bflag:$0x2] =	sbarrier.arrive $0xFFFF  }
0xcf: {  	p0 =	sne.s32 s0, $0x0;
	s0 =	rddreg [dreg:$0x3]  }
0xd0: {  	s0 =	sadd.s32 @!p0 $0x100000, s0  }
0xd1: {  	[sflag:s0] =	ssyncadd.tile.s32 @!p0 $0x1;
	_ =	shalt  }
.Lfunc_end2:
_tile_overlayer_lowered:
.L_overlay_start_2:
0xd2: {  	(tag) =	ssettag $0x2  }
0xd3: {  	s0 =	rddreg [dreg:$0x0];
	s2 =	stileid.u32  }
0xd4: {  	s1 =	rddreg [dreg:$0x1];
	p0 =	sne.s32 s2, $0x0  }
0xd5: {  	s3 =	rddreg [dreg:$0x2];
	[bflag:$0x3] =	sbarrier.arrive $0xFFFF;
	s2 =	simm.s32 @!p0 $0x1C0B  }
0xd6: {  	[timem:s3], [sflag:s2] =	dma.local @!p0 [hbm:s0], s1  }
0xd7: {  	s0 =	simm.s32 @!p0 $0xB  }
0xd8: {  	_ =	swait.ge @!p0 [sflag:s0], s1  }
0xd9: {  	s1 =	ssub.s32 @!p0 $0x0, s1;
	[sflag:s0] =	ssyncset.done @!p0 $0x0  }
0xda: {  	[sflag:s0] =	ssyncadd.s32 @!p0 s1  }
0xdb: {  	[bflag:$0x3] =	sbarrier.arrive $0xFFFF  }
0xdc: {  	_ =	shalt  }

</sc_bundles>
